<compile_context>
chip_gen: v7x
topology: tpu7x:2x2x1
jax: 0.10.2.dev20260603
libtpu: 0.0.44.dev20260713+nightly
codegen_flags: <defaults>
</compile_context>

<pallas_src>
import functools

import jax
import jax.numpy as jnp
from jax import lax
from jax.experimental import pallas as pl
from jax.experimental.pallas import tpu as pltpu
from jax.experimental.pallas import tpu_sc as plsc

L = 16
N_ROWS = 128
N_COLS = 32768
NC = 2
NS = 16
SC_ROWS = NC * NS
TC_ROWS = N_ROWS - SC_ROWS

HALF = N_COLS // 2
HALF_CHUNKS = HALF // L
UNROLL = 8
NACC = 4

_INT_MAX = 0x7FFFFFFF



def _scan_half(buf, idx_base):

    def body(j, carry):
        acc = [list(acc_k) for acc_k in carry]
        for u in range(UNROLL):
            k = u % NACC
            a_k, i_k, v_k, c_k = acc[k]
            v = buf[pl.ds((j * UNROLL + u) * L, L)]
            a = jnp.abs(v)
            pred = a > a_k
            acc[k] = [
                jnp.where(pred, a, a_k),
                jnp.where(pred, c_k, i_k),
                jnp.where(pred, v, v_k),
                c_k + L * NACC,
            ]
        return tuple(tuple(acc_k) for acc_k in acc)

    init = tuple(
        (
            jnp.full((L,), -1.0, jnp.float32),
            jnp.zeros((L,), jnp.int32),
            jnp.zeros((L,), jnp.float32),
            lax.iota(jnp.int32, L) + jnp.int32(L * k + idx_base),
        )
        for k in range(NACC)
    )
    accs = lax.fori_loop(0, HALF_CHUNKS // UNROLL, body, init)

    best_a, best_i, best_v, _ = accs[0]
    for a_k, i_k, v_k, _ in accs[1:]:
        pred = (a_k > best_a) | ((a_k == best_a) & (i_k < best_i))
        best_a = jnp.where(pred, a_k, best_a)
        best_i = jnp.where(pred, i_k, best_i)
        best_v = jnp.where(pred, v_k, best_v)
    return best_a, best_i, best_v


def _merge(t0, t1):
    a0, i0, v0 = t0
    a1, i1, v1 = t1
    pred = (a1 > a0) | ((a1 == a0) & (i1 < i0))
    return (
        jnp.where(pred, a1, a0),
        jnp.where(pred, i1, i0),
        jnp.where(pred, v1, v0),
    )


def _sc_body(neuron_hbm, seg_hbm, out_hbm,
             buf0, buf1, nvec, contrib, red, outv, shared, sem0, sem1):
    cid = lax.axis_index("c")
    sid = lax.axis_index("s")
    row = cid * NS + sid

    c0 = pltpu.make_async_copy(seg_hbm.at[row, pl.ds(0, HALF)], buf0, sem0)
    c0.start()
    c1 = pltpu.make_async_copy(seg_hbm.at[row, pl.ds(HALF, HALF)], buf1, sem1)
    c1.start()

    pltpu.sync_copy(neuron_hbm.at[pl.ds(cid * NS, NS)], nvec)

    c0.wait()
    t0 = _scan_half(buf0, 0)
    c1.wait()
    t1 = _scan_half(buf1, HALF)
    best_a, best_i, best_v = _merge(t0, t1)

    lane = lax.iota(jnp.int32, L)
    for shift in (1, 2, 4, 8):
        perm = lane ^ shift
        other = (
            best_a.at[perm].get(mode="promise_in_bounds"),
            best_i.at[perm].get(mode="promise_in_bounds"),
            best_v.at[perm].get(mode="promise_in_bounds"),
        )
        best_a, best_i, best_v = _merge((best_a, best_i, best_v), other)

    p = 1.0 / (1.0 + jnp.exp(-best_v))
    contrib[...] = jnp.where(lane == sid, nvec[...] * p,
                             jnp.zeros((L,), jnp.float32))

    pltpu.sync_copy(contrib, shared.at[pl.ds(sid * L, L)])
    plsc.subcore_barrier()

    @pl.when(sid == 0)
    def _():
        pltpu.sync_copy(shared, red)
        acc = red[pl.ds(0, L)]
        for r in range(1, NS):
            acc = acc + red[pl.ds(r * L, L)]
        outv[...] = acc
        pltpu.sync_copy(outv, out_hbm.at[pl.ds(cid * NS, NS)])


_sc_call = functools.partial(
    pl.kernel,
    mesh=plsc.VectorSubcoreMesh(core_axis_name="c", subcore_axis_name="s"),
    out_type=jax.ShapeDtypeStruct((N_ROWS,), jnp.float32),
    scratch_types=[
        pltpu.VMEM((HALF,), jnp.float32),
        pltpu.VMEM((HALF,), jnp.float32),
        pltpu.VMEM((L,), jnp.float32),
        pltpu.VMEM((L,), jnp.float32),
        pltpu.VMEM((NS * L,), jnp.float32),
        pltpu.VMEM((L,), jnp.float32),
        pltpu.VMEM_SHARED((NS * L,), jnp.float32),
        pltpu.SemaphoreType.DMA,
        pltpu.SemaphoreType.DMA,
    ],
)(_sc_body)


TC_BR = 32
TC_BC = 8192
TC_LANES = 128
TC_G = TC_BC // TC_LANES
TC_NBI = TC_ROWS // TC_BR
TC_NBJ = N_COLS // TC_BC
TC_OFF = SC_ROWS // TC_BR
TC_NACC = 8


def _tc_body(seg_ref, out_ref, acc_a, acc_i, acc_v, percent_s):
    i = pl.program_id(0)
    j = pl.program_id(1)

    @pl.when(j == 0)
    def _():
        acc_a[...] = jnp.full((TC_NACC, TC_BR, TC_LANES), -1.0, jnp.float32)
        acc_i[...] = jnp.zeros((TC_NACC, TC_BR, TC_LANES), jnp.int32)
        acc_v[...] = jnp.zeros((TC_NACC, TC_BR, TC_LANES), jnp.float32)

    lane = lax.broadcasted_iota(jnp.int32, (TC_BR, TC_LANES), 1)
    col0 = j * TC_BC

    accs = [
        [acc_a[k], acc_i[k], acc_v[k]]
        for k in range(TC_NACC)
    ]
    for g in range(TC_G):
        k = g % TC_NACC
        a_k, i_k, v_k = accs[k]
        x = seg_ref[:, pl.ds(g * TC_LANES, TC_LANES)]
        a = jnp.abs(x)
        idx = lane + (col0 + g * TC_LANES)
        pred = a > a_k
        accs[k] = [
            jnp.where(pred, a, a_k),
            jnp.where(pred, idx, i_k),
            jnp.where(pred, x, v_k),
        ]
    for k in range(TC_NACC):
        acc_a[k], acc_i[k], acc_v[k] = accs[k]

    @pl.when(j == TC_NBJ - 1)
    def _():
        best_a, best_i, best_v = accs[0]
        for k in range(1, TC_NACC):
            a_k, i_k, v_k = accs[k]
            pred = (a_k > best_a) | ((a_k == best_a) & (i_k < best_i))
            best_a = jnp.where(pred, a_k, best_a)
            best_i = jnp.where(pred, i_k, best_i)
            best_v = jnp.where(pred, v_k, best_v)
        m = jnp.max(best_a, axis=1, keepdims=True)
        cand = jnp.where(best_a == m, best_i, jnp.int32(_INT_MAX))
        ci = jnp.min(cand, axis=1, keepdims=True)
        v = jnp.sum(jnp.where(best_i == ci, best_v, 0.0),
                    axis=1, keepdims=True)
        percent = 1.0 / (1.0 + jnp.exp(-v))
        for ib in range(TC_NBI):
            @pl.when(i == ib)
            def _():
                percent_s[pl.ds((ib + TC_OFF) * TC_BR, TC_BR), :] = percent

    @pl.when((i == TC_NBI - 1) & (j == TC_NBJ - 1))
    def _():
        out_ref[...] = percent_s[...].T


_tc_call = pl.pallas_call(
    _tc_body,
    grid=(TC_NBI, TC_NBJ),
    in_specs=[
        pl.BlockSpec((TC_BR, TC_BC), lambda i, j: (i + TC_OFF, j)),
    ],
    out_specs=pl.BlockSpec((1, N_ROWS), lambda i, j: (0, 0)),
    out_shape=jax.ShapeDtypeStruct((1, N_ROWS), jnp.float32),
    scratch_shapes=[
        pltpu.VMEM((TC_NACC, TC_BR, TC_LANES), jnp.float32),
        pltpu.VMEM((TC_NACC, TC_BR, TC_LANES), jnp.int32),
        pltpu.VMEM((TC_NACC, TC_BR, TC_LANES), jnp.float32),
        pltpu.VMEM((N_ROWS, 1), jnp.float32),
    ],
    compiler_params=pltpu.CompilerParams(
        dimension_semantics=("arbitrary", "arbitrary")),
)


@jax.jit
def kernel(neuron_out, segment_out):
    sc_out = _sc_call(neuron_out, segment_out)
    tc_sig = _tc_call(segment_out)
    row_ids = lax.iota(jnp.int32, N_ROWS)
    return jnp.where(row_ids < SC_ROWS, sc_out,
                     tc_sig.reshape(N_ROWS) * neuron_out)

# --- scband reference (transcript-rebuilt; emitter-appended) ---
"""Pipeline reference for scband-absolute-max-gating-55035710931811 (READ-ONLY COPY).

The authoritative reference and input builder live on the scoring server;
editing this copy changes nothing except your own understanding.
"""

import jax, jax.numpy as jnp
import numpy as np


def setup_inputs(seed: int = 0) -> dict:
    key = jax.random.key(seed)
    k1, k2 = jax.random.split(key)
    neuron_out = jax.random.normal(k1, (128,), dtype=jnp.float32)
    segment_out = jax.random.normal(k2, (128, 32768), dtype=jnp.float32)
    return {"neuron_out": neuron_out, "segment_out": segment_out}


def reference(neuron_out, segment_out):
    # index of the absolute-max element per row
    index = jnp.argmax(jnp.abs(segment_out), axis=1)
    index = index.reshape(segment_out.shape[0], 1)
    # gather the (signed) value at that index
    percent = jnp.take_along_axis(segment_out, index, axis=1)
    percent = percent.reshape(segment_out.shape[0])
    percent = jax.nn.sigmoid(percent)
    return neuron_out * percent

if __name__ == "__main__":
    import jax
    _d = setup_inputs()
    print(jax.jit(kernel)(*tuple(_d.values())))

</pallas_src>

<mosaic_0001>
#map = affine_map<(d0, d1) -> (0)>
#map1 = affine_map<(d0, d1) -> (0, 0)>
module attributes {stable_mosaic.version = 14 : i64} {
  func.func @_sc_body(%arg0: i32, %arg1: i32, %arg2: memref<128xf32, #tpu.memory_space<hbm>>, %arg3: memref<128x32768xf32, #tpu.memory_space<hbm>>, %arg4: memref<128xf32, #tpu.memory_space<hbm>>, %arg5: memref<16384xf32, #tpu.memory_space<vmem>>, %arg6: memref<16384xf32, #tpu.memory_space<vmem>>, %arg7: memref<16xf32, #tpu.memory_space<vmem>>, %arg8: memref<16xf32, #tpu.memory_space<vmem>>, %arg9: memref<256xf32, #tpu.memory_space<vmem>>, %arg10: memref<16xf32, #tpu.memory_space<vmem>>, %arg11: memref<256xf32, #tpu.memory_space<vmem_shared>>, %arg12: memref<!tpu.dma_semaphore, #tpu.memory_space<semaphore_mem>>, %arg13: memref<!tpu.dma_semaphore, #tpu.memory_space<semaphore_mem>>) attributes {dimension_semantics = [#tpu.dimension_semantics<core_parallel>, #tpu.dimension_semantics<subcore_parallel>], iteration_bounds = array<i64: 2, 16>, scalar_prefetch = 0 : i64, scratch_operands = 9 : i64, tpu.core_type = #tpu.core_type<sc_vector_subcore>, window_params = [{transform_indices = #map}, {transform_indices = #map1}, {transform_indices = #map}]} {
    %mul3A = arith.constant 16 : i32
    %mul3A_0 = arith.muli %arg0, %mul3A : i32
    %add3A = arith.addi %mul3A_0, %arg1 : i32
    %dma_start3A = arith.constant 0 : i32
    %dma_start3A_1 = tpu.memref_slice %arg3[%add3A, %dma_start3A] : memref<128x32768xf32, #tpu.memory_space<hbm>> -> memref<1x16384xf32, #tpu.memory_space<hbm>>
    %dma_start3A_2 = tpu.memref_squeeze %dma_start3A_1 : memref<1x16384xf32, #tpu.memory_space<hbm>> -> memref<16384xf32, #tpu.memory_space<hbm>>
    %dma_start3A_3 = arith.constant 0 : i32
    %dma_start3A_4 = tpu.memref_slice %arg3[%add3A, %dma_start3A_3] : memref<128x32768xf32, #tpu.memory_space<hbm>> -> memref<1x16384xf32, #tpu.memory_space<hbm>>
    %dma_start3A_5 = tpu.memref_squeeze %dma_start3A_4 : memref<1x16384xf32, #tpu.memory_space<hbm>> -> memref<16384xf32, #tpu.memory_space<hbm>>
    tpu.enqueue_dma source(%dma_start3A_5 : memref<16384xf32, #tpu.memory_space<hbm>>) target(%arg5 : memref<16384xf32, #tpu.memory_space<vmem>>) target_semaphore(%arg12 : memref<!tpu.dma_semaphore, #tpu.memory_space<semaphore_mem>>)
    %dma_start3A_6 = arith.constant 16384 : i32
    %dma_start3A_7 = tpu.memref_slice %arg3[%add3A, %dma_start3A_6] : memref<128x32768xf32, #tpu.memory_space<hbm>> -> memref<1x16384xf32, #tpu.memory_space<hbm>>
    %dma_start3A_8 = tpu.memref_squeeze %dma_start3A_7 : memref<1x16384xf32, #tpu.memory_space<hbm>> -> memref<16384xf32, #tpu.memory_space<hbm>>
    %dma_start3A_9 = arith.constant 16384 : i32
    %dma_start3A_10 = tpu.memref_slice %arg3[%add3A, %dma_start3A_9] : memref<128x32768xf32, #tpu.memory_space<hbm>> -> memref<1x16384xf32, #tpu.memory_space<hbm>>
    %dma_start3A_11 = tpu.memref_squeeze %dma_start3A_10 : memref<1x16384xf32, #tpu.memory_space<hbm>> -> memref<16384xf32, #tpu.memory_space<hbm>>
    tpu.enqueue_dma source(%dma_start3A_11 : memref<16384xf32, #tpu.memory_space<hbm>>) target(%arg6 : memref<16384xf32, #tpu.memory_space<vmem>>) target_semaphore(%arg13 : memref<!tpu.dma_semaphore, #tpu.memory_space<semaphore_mem>>)
    %mul3A_12 = arith.constant 16 : i32
    %mul3A_13 = arith.muli %arg0, %mul3A_12 : i32
    "tpu.region"() ({
      %run_scoped3A = tpu.sem_alloc : memref<!tpu.dma_semaphore, #tpu.memory_space<semaphore_mem>>
      %dma_start3A_350 = tpu.memref_slice %arg2[%mul3A_13] : memref<128xf32, #tpu.memory_space<hbm>> -> memref<16xf32, #tpu.memory_space<hbm>>
      %dma_start3A_351 = tpu.memref_slice %arg2[%mul3A_13] : memref<128xf32, #tpu.memory_space<hbm>> -> memref<16xf32, #tpu.memory_space<hbm>>
      tpu.enqueue_dma source(%dma_start3A_351 : memref<16xf32, #tpu.memory_space<hbm>>) target(%arg7 : memref<16xf32, #tpu.memory_space<vmem>>) target_semaphore(%run_scoped3A : memref<!tpu.dma_semaphore, #tpu.memory_space<semaphore_mem>>)
      %dma_wait3A_352 = tpu.memref_slice %arg2[%mul3A_13] : memref<128xf32, #tpu.memory_space<hbm>> -> memref<16xf32, #tpu.memory_space<hbm>>
      %dma_wait3A_353 = tpu.memref_slice %arg2[%mul3A_13] : memref<128xf32, #tpu.memory_space<hbm>> -> memref<16xf32, #tpu.memory_space<hbm>>
      tpu.wait_dma2 semaphore(%run_scoped3A : memref<!tpu.dma_semaphore, #tpu.memory_space<semaphore_mem>>) src(%dma_wait3A_353 : memref<16xf32, #tpu.memory_space<hbm>>) dst(%arg7 : memref<16xf32, #tpu.memory_space<vmem>>)
      tpu.yield
    }) : () -> ()
    %dma_wait3A = arith.constant 0 : i32
    %dma_wait3A_14 = tpu.memref_slice %arg3[%add3A, %dma_wait3A] : memref<128x32768xf32, #tpu.memory_space<hbm>> -> memref<1x16384xf32, #tpu.memory_space<hbm>>
    %dma_wait3A_15 = tpu.memref_squeeze %dma_wait3A_14 : memref<1x16384xf32, #tpu.memory_space<hbm>> -> memref<16384xf32, #tpu.memory_space<hbm>>
    %dma_wait3A_16 = arith.constant 0 : i32
    %dma_wait3A_17 = tpu.memref_slice %arg3[%add3A, %dma_wait3A_16] : memref<128x32768xf32, #tpu.memory_space<hbm>> -> memref<1x16384xf32, #tpu.memory_space<hbm>>
    %dma_wait3A_18 = tpu.memref_squeeze %dma_wait3A_17 : memref<1x16384xf32, #tpu.memory_space<hbm>> -> memref<16384xf32, #tpu.memory_space<hbm>>
    tpu.wait_dma2 semaphore(%arg12 : memref<!tpu.dma_semaphore, #tpu.memory_space<semaphore_mem>>) src(%dma_wait3A_18 : memref<16384xf32, #tpu.memory_space<hbm>>) dst(%arg5 : memref<16384xf32, #tpu.memory_space<vmem>>)
    %broadcast_in_dim3A = arith.constant -1.000000e+00 : f32
    %broadcast_in_dim3A_19 = vector.broadcast %broadcast_in_dim3A : f32 to vector<16xf32>
    %broadcast_in_dim3A_20 = arith.constant 0 : i32
    %broadcast_in_dim3A_21 = vector.broadcast %broadcast_in_dim3A_20 : i32 to vector<16xi32>
    %broadcast_in_dim3A_22 = arith.constant 0.000000e+00 : f32
    %broadcast_in_dim3A_23 = vector.broadcast %broadcast_in_dim3A_22 : f32 to vector<16xf32>
    %iota3A = tpu.iota {dimensions = array<i32: 0>} : vector<16xi32>
    %add3A_24 = arith.constant 0 : i32
    %add3A_25 = vector.broadcast %add3A_24 : i32 to vector<16xi32>
    %add3A_26 = arith.addi %iota3A, %add3A_25 : vector<16xi32>
    %broadcast_in_dim3A_27 = arith.constant -1.000000e+00 : f32
    %broadcast_in_dim3A_28 = vector.broadcast %broadcast_in_dim3A_27 : f32 to vector<16xf32>
    %broadcast_in_dim3A_29 = arith.constant 0 : i32
    %broadcast_in_dim3A_30 = vector.broadcast %broadcast_in_dim3A_29 : i32 to vector<16xi32>
    %broadcast_in_dim3A_31 = arith.constant 0.000000e+00 : f32
    %broadcast_in_dim3A_32 = vector.broadcast %broadcast_in_dim3A_31 : f32 to vector<16xf32>
    %iota3A_33 = tpu.iota {dimensions = array<i32: 0>} : vector<16xi32>
    %add3A_34 = arith.constant 16 : i32
    %add3A_35 = vector.broadcast %add3A_34 : i32 to vector<16xi32>
    %add3A_36 = arith.addi %iota3A_33, %add3A_35 : vector<16xi32>
    %broadcast_in_dim3A_37 = arith.constant -1.000000e+00 : f32
    %broadcast_in_dim3A_38 = vector.broadcast %broadcast_in_dim3A_37 : f32 to vector<16xf32>
    %broadcast_in_dim3A_39 = arith.constant 0 : i32
    %broadcast_in_dim3A_40 = vector.broadcast %broadcast_in_dim3A_39 : i32 to vector<16xi32>
    %broadcast_in_dim3A_41 = arith.constant 0.000000e+00 : f32
    %broadcast_in_dim3A_42 = vector.broadcast %broadcast_in_dim3A_41 : f32 to vector<16xf32>
    %iota3A_43 = tpu.iota {dimensions = array<i32: 0>} : vector<16xi32>
    %add3A_44 = arith.constant 32 : i32
    %add3A_45 = vector.broadcast %add3A_44 : i32 to vector<16xi32>
    %add3A_46 = arith.addi %iota3A_43, %add3A_45 : vector<16xi32>
    %broadcast_in_dim3A_47 = arith.constant -1.000000e+00 : f32
    %broadcast_in_dim3A_48 = vector.broadcast %broadcast_in_dim3A_47 : f32 to vector<16xf32>
    %broadcast_in_dim3A_49 = arith.constant 0 : i32
    %broadcast_in_dim3A_50 = vector.broadcast %broadcast_in_dim3A_49 : i32 to vector<16xi32>
    %broadcast_in_dim3A_51 = arith.constant 0.000000e+00 : f32
    %broadcast_in_dim3A_52 = vector.broadcast %broadcast_in_dim3A_51 : f32 to vector<16xf32>
    %iota3A_53 = tpu.iota {dimensions = array<i32: 0>} : vector<16xi32>
    %add3A_54 = arith.constant 48 : i32
    %add3A_55 = vector.broadcast %add3A_54 : i32 to vector<16xi32>
    %add3A_56 = arith.addi %iota3A_53, %add3A_55 : vector<16xi32>
    %scan3A = arith.constant 0 : i32
    %scan3A_57 = arith.constant 128 : i32
    %scan3A_58 = arith.addi %scan3A, %scan3A_57 : i32
    %scan3A_59 = arith.constant 1 : i32
    %scan3A_60:16 = scf.for %scan3A_350 = %scan3A to %scan3A_58 step %scan3A_59 iter_args(%scan3A_351 = %broadcast_in_dim3A_19, %scan3A_352 = %broadcast_in_dim3A_21, %scan3A_353 = %broadcast_in_dim3A_23, %scan3A_354 = %add3A_26, %scan3A_355 = %broadcast_in_dim3A_28, %scan3A_356 = %broadcast_in_dim3A_30, %scan3A_357 = %broadcast_in_dim3A_32, %scan3A_358 = %add3A_36, %scan3A_359 = %broadcast_in_dim3A_38, %scan3A_360 = %broadcast_in_dim3A_40, %scan3A_361 = %broadcast_in_dim3A_42, %scan3A_362 = %add3A_46, %scan3A_363 = %broadcast_in_dim3A_48, %scan3A_364 = %broadcast_in_dim3A_50, %scan3A_365 = %broadcast_in_dim3A_52, %scan3A_366 = %add3A_56) -> (vector<16xf32>, vector<16xi32>, vector<16xf32>, vector<16xi32>, vector<16xf32>, vector<16xi32>, vector<16xf32>, vector<16xi32>, vector<16xf32>, vector<16xi32>, vector<16xf32>, vector<16xi32>, vector<16xf32>, vector<16xi32>, vector<16xf32>, vector<16xi32>)  : i32 {
      %mul3A_367 = arith.constant 8 : i32
      %mul3A_368 = arith.muli %scan3A_350, %mul3A_367 : i32
      %add3A_369 = arith.constant 0 : i32
      %add3A_370 = arith.addi %mul3A_368, %add3A_369 : i32
      %mul3A_371 = arith.constant 16 : i32
      %mul3A_372 = arith.muli %add3A_370, %mul3A_371 : i32
      %get3A_373 = arith.index_cast %mul3A_372 : i32 to index
      %get3A_374 = tpu.vector_load %arg5[%get3A_373] {strides = array<i32>} : memref<16384xf32, #tpu.memory_space<vmem>>, vector<16xf32>,
      %get3A_375 = vector.shape_cast %get3A_374 : vector<16xf32> to vector<16xf32>
      %abs3A = math.absf %get3A_375 : vector<16xf32>
      %gt3A_376 = arith.cmpf ogt, %abs3A, %scan3A_351 : vector<16xf32>
      %select_n3A_377 = arith.select %gt3A_376, %abs3A, %scan3A_351 : vector<16xi1>, vector<16xf32>
      %select_n3A_378 = arith.select %gt3A_376, %scan3A_354, %scan3A_352 : vector<16xi1>, vector<16xi32>
      %select_n3A_379 = arith.select %gt3A_376, %get3A_375, %scan3A_353 : vector<16xi1>, vector<16xf32>
      %add3A_380 = arith.constant 64 : i32
      %add3A_381 = vector.broadcast %add3A_380 : i32 to vector<16xi32>
      %add3A_382 = arith.addi %scan3A_354, %add3A_381 : vector<16xi32>
      %mul3A_383 = arith.constant 8 : i32
      %mul3A_384 = arith.muli %scan3A_350, %mul3A_383 : i32
      %add3A_385 = arith.constant 1 : i32
      %add3A_386 = arith.addi %mul3A_384, %add3A_385 : i32
      %mul3A_387 = arith.constant 16 : i32
      %mul3A_388 = arith.muli %add3A_386, %mul3A_387 : i32
      %get3A_389 = arith.index_cast %mul3A_388 : i32 to index
      %get3A_390 = tpu.vector_load %arg5[%get3A_389] {strides = array<i32>} : memref<16384xf32, #tpu.memory_space<vmem>>, vector<16xf32>,
      %get3A_391 = vector.shape_cast %get3A_390 : vector<16xf32> to vector<16xf32>
      %abs3A_392 = math.absf %get3A_391 : vector<16xf32>
      %gt3A_393 = arith.cmpf ogt, %abs3A_392, %scan3A_355 : vector<16xf32>
      %select_n3A_394 = arith.select %gt3A_393, %abs3A_392, %scan3A_355 : vector<16xi1>, vector<16xf32>
      %select_n3A_395 = arith.select %gt3A_393, %scan3A_358, %scan3A_356 : vector<16xi1>, vector<16xi32>
      %select_n3A_396 = arith.select %gt3A_393, %get3A_391, %scan3A_357 : vector<16xi1>, vector<16xf32>
      %add3A_397 = arith.constant 64 : i32
      %add3A_398 = vector.broadcast %add3A_397 : i32 to vector<16xi32>
      %add3A_399 = arith.addi %scan3A_358, %add3A_398 : vector<16xi32>
      %mul3A_400 = arith.constant 8 : i32
      %mul3A_401 = arith.muli %scan3A_350, %mul3A_400 : i32
      %add3A_402 = arith.constant 2 : i32
      %add3A_403 = arith.addi %mul3A_401, %add3A_402 : i32
      %mul3A_404 = arith.constant 16 : i32
      %mul3A_405 = arith.muli %add3A_403, %mul3A_404 : i32
      %get3A_406 = arith.index_cast %mul3A_405 : i32 to index
      %get3A_407 = tpu.vector_load %arg5[%get3A_406] {strides = array<i32>} : memref<16384xf32, #tpu.memory_space<vmem>>, vector<16xf32>,
      %get3A_408 = vector.shape_cast %get3A_407 : vector<16xf32> to vector<16xf32>
      %abs3A_409 = math.absf %get3A_408 : vector<16xf32>
      %gt3A_410 = arith.cmpf ogt, %abs3A_409, %scan3A_359 : vector<16xf32>
      %select_n3A_411 = arith.select %gt3A_410, %abs3A_409, %scan3A_359 : vector<16xi1>, vector<16xf32>
      %select_n3A_412 = arith.select %gt3A_410, %scan3A_362, %scan3A_360 : vector<16xi1>, vector<16xi32>
      %select_n3A_413 = arith.select %gt3A_410, %get3A_408, %scan3A_361 : vector<16xi1>, vector<16xf32>
      %add3A_414 = arith.constant 64 : i32
      %add3A_415 = vector.broadcast %add3A_414 : i32 to vector<16xi32>
      %add3A_416 = arith.addi %scan3A_362, %add3A_415 : vector<16xi32>
      %mul3A_417 = arith.constant 8 : i32
      %mul3A_418 = arith.muli %scan3A_350, %mul3A_417 : i32
      %add3A_419 = arith.constant 3 : i32
      %add3A_420 = arith.addi %mul3A_418, %add3A_419 : i32
      %mul3A_421 = arith.constant 16 : i32
      %mul3A_422 = arith.muli %add3A_420, %mul3A_421 : i32
      %get3A_423 = arith.index_cast %mul3A_422 : i32 to index
      %get3A_424 = tpu.vector_load %arg5[%get3A_423] {strides = array<i32>} : memref<16384xf32, #tpu.memory_space<vmem>>, vector<16xf32>,
      %get3A_425 = vector.shape_cast %get3A_424 : vector<16xf32> to vector<16xf32>
      %abs3A_426 = math.absf %get3A_425 : vector<16xf32>
      %gt3A_427 = arith.cmpf ogt, %abs3A_426, %scan3A_363 : vector<16xf32>
      %select_n3A_428 = arith.select %gt3A_427, %abs3A_426, %scan3A_363 : vector<16xi1>, vector<16xf32>
      %select_n3A_429 = arith.select %gt3A_427, %scan3A_366, %scan3A_364 : vector<16xi1>, vector<16xi32>
      %select_n3A_430 = arith.select %gt3A_427, %get3A_425, %scan3A_365 : vector<16xi1>, vector<16xf32>
      %add3A_431 = arith.constant 64 : i32
      %add3A_432 = vector.broadcast %add3A_431 : i32 to vector<16xi32>
      %add3A_433 = arith.addi %scan3A_366, %add3A_432 : vector<16xi32>
      %mul3A_434 = arith.constant 8 : i32
      %mul3A_435 = arith.muli %scan3A_350, %mul3A_434 : i32
      %add3A_436 = arith.constant 4 : i32
      %add3A_437 = arith.addi %mul3A_435, %add3A_436 : i32
      %mul3A_438 = arith.constant 16 : i32
      %mul3A_439 = arith.muli %add3A_437, %mul3A_438 : i32
      %get3A_440 = arith.index_cast %mul3A_439 : i32 to index
      %get3A_441 = tpu.vector_load %arg5[%get3A_440] {strides = array<i32>} : memref<16384xf32, #tpu.memory_space<vmem>>, vector<16xf32>,
      %get3A_442 = vector.shape_cast %get3A_441 : vector<16xf32> to vector<16xf32>
      %abs3A_443 = math.absf %get3A_442 : vector<16xf32>
      %gt3A_444 = arith.cmpf ogt, %abs3A_443, %select_n3A_377 : vector<16xf32>
      %select_n3A_445 = arith.select %gt3A_444, %abs3A_443, %select_n3A_377 : vector<16xi1>, vector<16xf32>
      %select_n3A_446 = arith.select %gt3A_444, %add3A_382, %select_n3A_378 : vector<16xi1>, vector<16xi32>
      %select_n3A_447 = arith.select %gt3A_444, %get3A_442, %select_n3A_379 : vector<16xi1>, vector<16xf32>
      %add3A_448 = arith.constant 64 : i32
      %add3A_449 = vector.broadcast %add3A_448 : i32 to vector<16xi32>
      %add3A_450 = arith.addi %add3A_382, %add3A_449 : vector<16xi32>
      %mul3A_451 = arith.constant 8 : i32
      %mul3A_452 = arith.muli %scan3A_350, %mul3A_451 : i32
      %add3A_453 = arith.constant 5 : i32
      %add3A_454 = arith.addi %mul3A_452, %add3A_453 : i32
      %mul3A_455 = arith.constant 16 : i32
      %mul3A_456 = arith.muli %add3A_454, %mul3A_455 : i32
      %get3A_457 = arith.index_cast %mul3A_456 : i32 to index
      %get3A_458 = tpu.vector_load %arg5[%get3A_457] {strides = array<i32>} : memref<16384xf32, #tpu.memory_space<vmem>>, vector<16xf32>,
      %get3A_459 = vector.shape_cast %get3A_458 : vector<16xf32> to vector<16xf32>
      %abs3A_460 = math.absf %get3A_459 : vector<16xf32>
      %gt3A_461 = arith.cmpf ogt, %abs3A_460, %select_n3A_394 : vector<16xf32>
      %select_n3A_462 = arith.select %gt3A_461, %abs3A_460, %select_n3A_394 : vector<16xi1>, vector<16xf32>
      %select_n3A_463 = arith.select %gt3A_461, %add3A_399, %select_n3A_395 : vector<16xi1>, vector<16xi32>
      %select_n3A_464 = arith.select %gt3A_461, %get3A_459, %select_n3A_396 : vector<16xi1>, vector<16xf32>
      %add3A_465 = arith.constant 64 : i32
      %add3A_466 = vector.broadcast %add3A_465 : i32 to vector<16xi32>
      %add3A_467 = arith.addi %add3A_399, %add3A_466 : vector<16xi32>
      %mul3A_468 = arith.constant 8 : i32
      %mul3A_469 = arith.muli %scan3A_350, %mul3A_468 : i32
      %add3A_470 = arith.constant 6 : i32
      %add3A_471 = arith.addi %mul3A_469, %add3A_470 : i32
      %mul3A_472 = arith.constant 16 : i32
      %mul3A_473 = arith.muli %add3A_471, %mul3A_472 : i32
      %get3A_474 = arith.index_cast %mul3A_473 : i32 to index
      %get3A_475 = tpu.vector_load %arg5[%get3A_474] {strides = array<i32>} : memref<16384xf32, #tpu.memory_space<vmem>>, vector<16xf32>,
      %get3A_476 = vector.shape_cast %get3A_475 : vector<16xf32> to vector<16xf32>
      %abs3A_477 = math.absf %get3A_476 : vector<16xf32>
      %gt3A_478 = arith.cmpf ogt, %abs3A_477, %select_n3A_411 : vector<16xf32>
      %select_n3A_479 = arith.select %gt3A_478, %abs3A_477, %select_n3A_411 : vector<16xi1>, vector<16xf32>
      %select_n3A_480 = arith.select %gt3A_478, %add3A_416, %select_n3A_412 : vector<16xi1>, vector<16xi32>
      %select_n3A_481 = arith.select %gt3A_478, %get3A_476, %select_n3A_413 : vector<16xi1>, vector<16xf32>
      %add3A_482 = arith.constant 64 : i32
      %add3A_483 = vector.broadcast %add3A_482 : i32 to vector<16xi32>
      %add3A_484 = arith.addi %add3A_416, %add3A_483 : vector<16xi32>
      %mul3A_485 = arith.constant 8 : i32
      %mul3A_486 = arith.muli %scan3A_350, %mul3A_485 : i32
      %add3A_487 = arith.constant 7 : i32
      %add3A_488 = arith.addi %mul3A_486, %add3A_487 : i32
      %mul3A_489 = arith.constant 16 : i32
      %mul3A_490 = arith.muli %add3A_488, %mul3A_489 : i32
      %get3A_491 = arith.index_cast %mul3A_490 : i32 to index
      %get3A_492 = tpu.vector_load %arg5[%get3A_491] {strides = array<i32>} : memref<16384xf32, #tpu.memory_space<vmem>>, vector<16xf32>,
      %get3A_493 = vector.shape_cast %get3A_492 : vector<16xf32> to vector<16xf32>
      %abs3A_494 = math.absf %get3A_493 : vector<16xf32>
      %gt3A_495 = arith.cmpf ogt, %abs3A_494, %select_n3A_428 : vector<16xf32>
      %select_n3A_496 = arith.select %gt3A_495, %abs3A_494, %select_n3A_428 : vector<16xi1>, vector<16xf32>
      %select_n3A_497 = arith.select %gt3A_495, %add3A_433, %select_n3A_429 : vector<16xi1>, vector<16xi32>
      %select_n3A_498 = arith.select %gt3A_495, %get3A_493, %select_n3A_430 : vector<16xi1>, vector<16xf32>
      %add3A_499 = arith.constant 64 : i32
      %add3A_500 = vector.broadcast %add3A_499 : i32 to vector<16xi32>
      %add3A_501 = arith.addi %add3A_433, %add3A_500 : vector<16xi32>
      scf.yield %select_n3A_445, %select_n3A_446, %select_n3A_447, %add3A_450, %select_n3A_462, %select_n3A_463, %select_n3A_464, %add3A_467, %select_n3A_479, %select_n3A_480, %select_n3A_481, %add3A_484, %select_n3A_496, %select_n3A_497, %select_n3A_498, %add3A_501 : vector<16xf32>, vector<16xi32>, vector<16xf32>, vector<16xi32>, vector<16xf32>, vector<16xi32>, vector<16xf32>, vector<16xi32>, vector<16xf32>, vector<16xi32>, vector<16xf32>, vector<16xi32>, vector<16xf32>, vector<16xi32>, vector<16xf32>, vector<16xi32>
    }
    %scan3A_61 = arith.constant 128 : i32
    %gt3A = arith.cmpf ogt, %scan3A_60#4, %scan3A_60#0 : vector<16xf32>
    %eq3A = arith.cmpf oeq, %scan3A_60#4, %scan3A_60#0 : vector<16xf32>
    %lt3A = arith.cmpi slt, %scan3A_60#5, %scan3A_60#1 : vector<16xi32>
    %and3A = arith.andi %eq3A, %lt3A : vector<16xi1>
    %or3A = arith.ori %gt3A, %and3A : vector<16xi1>
    %select_n3A = arith.select %or3A, %scan3A_60#4, %scan3A_60#0 : vector<16xi1>, vector<16xf32>
    %select_n3A_62 = arith.select %or3A, %scan3A_60#5, %scan3A_60#1 : vector<16xi1>, vector<16xi32>
    %select_n3A_63 = arith.select %or3A, %scan3A_60#6, %scan3A_60#2 : vector<16xi1>, vector<16xf32>
    %gt3A_64 = arith.cmpf ogt, %scan3A_60#8, %select_n3A : vector<16xf32>
    %eq3A_65 = arith.cmpf oeq, %scan3A_60#8, %select_n3A : vector<16xf32>
    %lt3A_66 = arith.cmpi slt, %scan3A_60#9, %select_n3A_62 : vector<16xi32>
    %and3A_67 = arith.andi %eq3A_65, %lt3A_66 : vector<16xi1>
    %or3A_68 = arith.ori %gt3A_64, %and3A_67 : vector<16xi1>
    %select_n3A_69 = arith.select %or3A_68, %scan3A_60#8, %select_n3A : vector<16xi1>, vector<16xf32>
    %select_n3A_70 = arith.select %or3A_68, %scan3A_60#9, %select_n3A_62 : vector<16xi1>, vector<16xi32>
    %select_n3A_71 = arith.select %or3A_68, %scan3A_60#10, %select_n3A_63 : vector<16xi1>, vector<16xf32>
    %gt3A_72 = arith.cmpf ogt, %scan3A_60#12, %select_n3A_69 : vector<16xf32>
    %eq3A_73 = arith.cmpf oeq, %scan3A_60#12, %select_n3A_69 : vector<16xf32>
    %lt3A_74 = arith.cmpi slt, %scan3A_60#13, %select_n3A_70 : vector<16xi32>
    %and3A_75 = arith.andi %eq3A_73, %lt3A_74 : vector<16xi1>
    %or3A_76 = arith.ori %gt3A_72, %and3A_75 : vector<16xi1>
    %select_n3A_77 = arith.select %or3A_76, %scan3A_60#12, %select_n3A_69 : vector<16xi1>, vector<16xf32>
    %select_n3A_78 = arith.select %or3A_76, %scan3A_60#13, %select_n3A_70 : vector<16xi1>, vector<16xi32>
    %select_n3A_79 = arith.select %or3A_76, %scan3A_60#14, %select_n3A_71 : vector<16xi1>, vector<16xf32>
    %dma_wait3A_80 = arith.constant 16384 : i32
    %dma_wait3A_81 = tpu.memref_slice %arg3[%add3A, %dma_wait3A_80] : memref<128x32768xf32, #tpu.memory_space<hbm>> -> memref<1x16384xf32, #tpu.memory_space<hbm>>
    %dma_wait3A_82 = tpu.memref_squeeze %dma_wait3A_81 : memref<1x16384xf32, #tpu.memory_space<hbm>> -> memref<16384xf32, #tpu.memory_space<hbm>>
    %dma_wait3A_83 = arith.constant 16384 : i32
    %dma_wait3A_84 = tpu.memref_slice %arg3[%add3A, %dma_wait3A_83] : memref<128x32768xf32, #tpu.memory_space<hbm>> -> memref<1x16384xf32, #tpu.memory_space<hbm>>
    %dma_wait3A_85 = tpu.memref_squeeze %dma_wait3A_84 : memref<1x16384xf32, #tpu.memory_space<hbm>> -> memref<16384xf32, #tpu.memory_space<hbm>>
    tpu.wait_dma2 semaphore(%arg13 : memref<!tpu.dma_semaphore, #tpu.memory_space<semaphore_mem>>) src(%dma_wait3A_85 : memref<16384xf32, #tpu.memory_space<hbm>>) dst(%arg6 : memref<16384xf32, #tpu.memory_space<vmem>>)
    %broadcast_in_dim3A_86 = arith.constant -1.000000e+00 : f32
    %broadcast_in_dim3A_87 = vector.broadcast %broadcast_in_dim3A_86 : f32 to vector<16xf32>
    %broadcast_in_dim3A_88 = arith.constant 0 : i32
    %broadcast_in_dim3A_89 = vector.broadcast %broadcast_in_dim3A_88 : i32 to vector<16xi32>
    %broadcast_in_dim3A_90 = arith.constant 0.000000e+00 : f32
    %broadcast_in_dim3A_91 = vector.broadcast %broadcast_in_dim3A_90 : f32 to vector<16xf32>
    %iota3A_92 = tpu.iota {dimensions = array<i32: 0>} : vector<16xi32>
    %add3A_93 = arith.constant 16384 : i32
    %add3A_94 = vector.broadcast %add3A_93 : i32 to vector<16xi32>
    %add3A_95 = arith.addi %iota3A_92, %add3A_94 : vector<16xi32>
    %broadcast_in_dim3A_96 = arith.constant -1.000000e+00 : f32
    %broadcast_in_dim3A_97 = vector.broadcast %broadcast_in_dim3A_96 : f32 to vector<16xf32>
    %broadcast_in_dim3A_98 = arith.constant 0 : i32
    %broadcast_in_dim3A_99 = vector.broadcast %broadcast_in_dim3A_98 : i32 to vector<16xi32>
    %broadcast_in_dim3A_100 = arith.constant 0.000000e+00 : f32
    %broadcast_in_dim3A_101 = vector.broadcast %broadcast_in_dim3A_100 : f32 to vector<16xf32>
    %iota3A_102 = tpu.iota {dimensions = array<i32: 0>} : vector<16xi32>
    %add3A_103 = arith.constant 16400 : i32
    %add3A_104 = vector.broadcast %add3A_103 : i32 to vector<16xi32>
    %add3A_105 = arith.addi %iota3A_102, %add3A_104 : vector<16xi32>
    %broadcast_in_dim3A_106 = arith.constant -1.000000e+00 : f32
    %broadcast_in_dim3A_107 = vector.broadcast %broadcast_in_dim3A_106 : f32 to vector<16xf32>
    %broadcast_in_dim3A_108 = arith.constant 0 : i32
    %broadcast_in_dim3A_109 = vector.broadcast %broadcast_in_dim3A_108 : i32 to vector<16xi32>
    %broadcast_in_dim3A_110 = arith.constant 0.000000e+00 : f32
    %broadcast_in_dim3A_111 = vector.broadcast %broadcast_in_dim3A_110 : f32 to vector<16xf32>
    %iota3A_112 = tpu.iota {dimensions = array<i32: 0>} : vector<16xi32>
    %add3A_113 = arith.constant 16416 : i32
    %add3A_114 = vector.broadcast %add3A_113 : i32 to vector<16xi32>
    %add3A_115 = arith.addi %iota3A_112, %add3A_114 : vector<16xi32>
    %broadcast_in_dim3A_116 = arith.constant -1.000000e+00 : f32
    %broadcast_in_dim3A_117 = vector.broadcast %broadcast_in_dim3A_116 : f32 to vector<16xf32>
    %broadcast_in_dim3A_118 = arith.constant 0 : i32
    %broadcast_in_dim3A_119 = vector.broadcast %broadcast_in_dim3A_118 : i32 to vector<16xi32>
    %broadcast_in_dim3A_120 = arith.constant 0.000000e+00 : f32
    %broadcast_in_dim3A_121 = vector.broadcast %broadcast_in_dim3A_120 : f32 to vector<16xf32>
    %iota3A_122 = tpu.iota {dimensions = array<i32: 0>} : vector<16xi32>
    %add3A_123 = arith.constant 16432 : i32
    %add3A_124 = vector.broadcast %add3A_123 : i32 to vector<16xi32>
    %add3A_125 = arith.addi %iota3A_122, %add3A_124 : vector<16xi32>
    %scan3A_126 = arith.constant 0 : i32
    %scan3A_127 = arith.constant 128 : i32
    %scan3A_128 = arith.addi %scan3A_126, %scan3A_127 : i32
    %scan3A_129 = arith.constant 1 : i32
    %scan3A_130:16 = scf.for %scan3A_350 = %scan3A_126 to %scan3A_128 step %scan3A_129 iter_args(%scan3A_351 = %broadcast_in_dim3A_87, %scan3A_352 = %broadcast_in_dim3A_89, %scan3A_353 = %broadcast_in_dim3A_91, %scan3A_354 = %add3A_95, %scan3A_355 = %broadcast_in_dim3A_97, %scan3A_356 = %broadcast_in_dim3A_99, %scan3A_357 = %broadcast_in_dim3A_101, %scan3A_358 = %add3A_105, %scan3A_359 = %broadcast_in_dim3A_107, %scan3A_360 = %broadcast_in_dim3A_109, %scan3A_361 = %broadcast_in_dim3A_111, %scan3A_362 = %add3A_115, %scan3A_363 = %broadcast_in_dim3A_117, %scan3A_364 = %broadcast_in_dim3A_119, %scan3A_365 = %broadcast_in_dim3A_121, %scan3A_366 = %add3A_125) -> (vector<16xf32>, vector<16xi32>, vector<16xf32>, vector<16xi32>, vector<16xf32>, vector<16xi32>, vector<16xf32>, vector<16xi32>, vector<16xf32>, vector<16xi32>, vector<16xf32>, vector<16xi32>, vector<16xf32>, vector<16xi32>, vector<16xf32>, vector<16xi32>)  : i32 {
      %mul3A_367 = arith.constant 8 : i32
      %mul3A_368 = arith.muli %scan3A_350, %mul3A_367 : i32
      %add3A_369 = arith.constant 0 : i32
      %add3A_370 = arith.addi %mul3A_368, %add3A_369 : i32
      %mul3A_371 = arith.constant 16 : i32
      %mul3A_372 = arith.muli %add3A_370, %mul3A_371 : i32
      %get3A_373 = arith.index_cast %mul3A_372 : i32 to index
      %get3A_374 = tpu.vector_load %arg6[%get3A_373] {strides = array<i32>} : memref<16384xf32, #tpu.memory_space<vmem>>, vector<16xf32>,
      %get3A_375 = vector.shape_cast %get3A_374 : vector<16xf32> to vector<16xf32>
      %abs3A = math.absf %get3A_375 : vector<16xf32>
      %gt3A_376 = arith.cmpf ogt, %abs3A, %scan3A_351 : vector<16xf32>
      %select_n3A_377 = arith.select %gt3A_376, %abs3A, %scan3A_351 : vector<16xi1>, vector<16xf32>
      %select_n3A_378 = arith.select %gt3A_376, %scan3A_354, %scan3A_352 : vector<16xi1>, vector<16xi32>
      %select_n3A_379 = arith.select %gt3A_376, %get3A_375, %scan3A_353 : vector<16xi1>, vector<16xf32>
      %add3A_380 = arith.constant 64 : i32
      %add3A_381 = vector.broadcast %add3A_380 : i32 to vector<16xi32>
      %add3A_382 = arith.addi %scan3A_354, %add3A_381 : vector<16xi32>
      %mul3A_383 = arith.constant 8 : i32
      %mul3A_384 = arith.muli %scan3A_350, %mul3A_383 : i32
      %add3A_385 = arith.constant 1 : i32
      %add3A_386 = arith.addi %mul3A_384, %add3A_385 : i32
      %mul3A_387 = arith.constant 16 : i32
      %mul3A_388 = arith.muli %add3A_386, %mul3A_387 : i32
      %get3A_389 = arith.index_cast %mul3A_388 : i32 to index
      %get3A_390 = tpu.vector_load %arg6[%get3A_389] {strides = array<i32>} : memref<16384xf32, #tpu.memory_space<vmem>>, vector<16xf32>,
      %get3A_391 = vector.shape_cast %get3A_390 : vector<16xf32> to vector<16xf32>
      %abs3A_392 = math.absf %get3A_391 : vector<16xf32>
      %gt3A_393 = arith.cmpf ogt, %abs3A_392, %scan3A_355 : vector<16xf32>
      %select_n3A_394 = arith.select %gt3A_393, %abs3A_392, %scan3A_355 : vector<16xi1>, vector<16xf32>
      %select_n3A_395 = arith.select %gt3A_393, %scan3A_358, %scan3A_356 : vector<16xi1>, vector<16xi32>
      %select_n3A_396 = arith.select %gt3A_393, %get3A_391, %scan3A_357 : vector<16xi1>, vector<16xf32>
      %add3A_397 = arith.constant 64 : i32
      %add3A_398 = vector.broadcast %add3A_397 : i32 to vector<16xi32>
      %add3A_399 = arith.addi %scan3A_358, %add3A_398 : vector<16xi32>
      %mul3A_400 = arith.constant 8 : i32
      %mul3A_401 = arith.muli %scan3A_350, %mul3A_400 : i32
      %add3A_402 = arith.constant 2 : i32
      %add3A_403 = arith.addi %mul3A_401, %add3A_402 : i32
      %mul3A_404 = arith.constant 16 : i32
      %mul3A_405 = arith.muli %add3A_403, %mul3A_404 : i32
      %get3A_406 = arith.index_cast %mul3A_405 : i32 to index
      %get3A_407 = tpu.vector_load %arg6[%get3A_406] {strides = array<i32>} : memref<16384xf32, #tpu.memory_space<vmem>>, vector<16xf32>,
      %get3A_408 = vector.shape_cast %get3A_407 : vector<16xf32> to vector<16xf32>
      %abs3A_409 = math.absf %get3A_408 : vector<16xf32>
      %gt3A_410 = arith.cmpf ogt, %abs3A_409, %scan3A_359 : vector<16xf32>
      %select_n3A_411 = arith.select %gt3A_410, %abs3A_409, %scan3A_359 : vector<16xi1>, vector<16xf32>
      %select_n3A_412 = arith.select %gt3A_410, %scan3A_362, %scan3A_360 : vector<16xi1>, vector<16xi32>
      %select_n3A_413 = arith.select %gt3A_410, %get3A_408, %scan3A_361 : vector<16xi1>, vector<16xf32>
      %add3A_414 = arith.constant 64 : i32
      %add3A_415 = vector.broadcast %add3A_414 : i32 to vector<16xi32>
      %add3A_416 = arith.addi %scan3A_362, %add3A_415 : vector<16xi32>
      %mul3A_417 = arith.constant 8 : i32
      %mul3A_418 = arith.muli %scan3A_350, %mul3A_417 : i32
      %add3A_419 = arith.constant 3 : i32
      %add3A_420 = arith.addi %mul3A_418, %add3A_419 : i32
      %mul3A_421 = arith.constant 16 : i32
      %mul3A_422 = arith.muli %add3A_420, %mul3A_421 : i32
      %get3A_423 = arith.index_cast %mul3A_422 : i32 to index
      %get3A_424 = tpu.vector_load %arg6[%get3A_423] {strides = array<i32>} : memref<16384xf32, #tpu.memory_space<vmem>>, vector<16xf32>,
      %get3A_425 = vector.shape_cast %get3A_424 : vector<16xf32> to vector<16xf32>
      %abs3A_426 = math.absf %get3A_425 : vector<16xf32>
      %gt3A_427 = arith.cmpf ogt, %abs3A_426, %scan3A_363 : vector<16xf32>
      %select_n3A_428 = arith.select %gt3A_427, %abs3A_426, %scan3A_363 : vector<16xi1>, vector<16xf32>
      %select_n3A_429 = arith.select %gt3A_427, %scan3A_366, %scan3A_364 : vector<16xi1>, vector<16xi32>
      %select_n3A_430 = arith.select %gt3A_427, %get3A_425, %scan3A_365 : vector<16xi1>, vector<16xf32>
      %add3A_431 = arith.constant 64 : i32
      %add3A_432 = vector.broadcast %add3A_431 : i32 to vector<16xi32>
      %add3A_433 = arith.addi %scan3A_366, %add3A_432 : vector<16xi32>
      %mul3A_434 = arith.constant 8 : i32
      %mul3A_435 = arith.muli %scan3A_350, %mul3A_434 : i32
      %add3A_436 = arith.constant 4 : i32
      %add3A_437 = arith.addi %mul3A_435, %add3A_436 : i32
      %mul3A_438 = arith.constant 16 : i32
      %mul3A_439 = arith.muli %add3A_437, %mul3A_438 : i32
      %get3A_440 = arith.index_cast %mul3A_439 : i32 to index
      %get3A_441 = tpu.vector_load %arg6[%get3A_440] {strides = array<i32>} : memref<16384xf32, #tpu.memory_space<vmem>>, vector<16xf32>,
      %get3A_442 = vector.shape_cast %get3A_441 : vector<16xf32> to vector<16xf32>
      %abs3A_443 = math.absf %get3A_442 : vector<16xf32>
      %gt3A_444 = arith.cmpf ogt, %abs3A_443, %select_n3A_377 : vector<16xf32>
      %select_n3A_445 = arith.select %gt3A_444, %abs3A_443, %select_n3A_377 : vector<16xi1>, vector<16xf32>
      %select_n3A_446 = arith.select %gt3A_444, %add3A_382, %select_n3A_378 : vector<16xi1>, vector<16xi32>
      %select_n3A_447 = arith.select %gt3A_444, %get3A_442, %select_n3A_379 : vector<16xi1>, vector<16xf32>
      %add3A_448 = arith.constant 64 : i32
      %add3A_449 = vector.broadcast %add3A_448 : i32 to vector<16xi32>
      %add3A_450 = arith.addi %add3A_382, %add3A_449 : vector<16xi32>
      %mul3A_451 = arith.constant 8 : i32
      %mul3A_452 = arith.muli %scan3A_350, %mul3A_451 : i32
      %add3A_453 = arith.constant 5 : i32
      %add3A_454 = arith.addi %mul3A_452, %add3A_453 : i32
      %mul3A_455 = arith.constant 16 : i32
      %mul3A_456 = arith.muli %add3A_454, %mul3A_455 : i32
      %get3A_457 = arith.index_cast %mul3A_456 : i32 to index
      %get3A_458 = tpu.vector_load %arg6[%get3A_457] {strides = array<i32>} : memref<16384xf32, #tpu.memory_space<vmem>>, vector<16xf32>,
      %get3A_459 = vector.shape_cast %get3A_458 : vector<16xf32> to vector<16xf32>
      %abs3A_460 = math.absf %get3A_459 : vector<16xf32>
      %gt3A_461 = arith.cmpf ogt, %abs3A_460, %select_n3A_394 : vector<16xf32>
      %select_n3A_462 = arith.select %gt3A_461, %abs3A_460, %select_n3A_394 : vector<16xi1>, vector<16xf32>
      %select_n3A_463 = arith.select %gt3A_461, %add3A_399, %select_n3A_395 : vector<16xi1>, vector<16xi32>
      %select_n3A_464 = arith.select %gt3A_461, %get3A_459, %select_n3A_396 : vector<16xi1>, vector<16xf32>
      %add3A_465 = arith.constant 64 : i32
      %add3A_466 = vector.broadcast %add3A_465 : i32 to vector<16xi32>
      %add3A_467 = arith.addi %add3A_399, %add3A_466 : vector<16xi32>
      %mul3A_468 = arith.constant 8 : i32
      %mul3A_469 = arith.muli %scan3A_350, %mul3A_468 : i32
      %add3A_470 = arith.constant 6 : i32
      %add3A_471 = arith.addi %mul3A_469, %add3A_470 : i32
      %mul3A_472 = arith.constant 16 : i32
      %mul3A_473 = arith.muli %add3A_471, %mul3A_472 : i32
      %get3A_474 = arith.index_cast %mul3A_473 : i32 to index
      %get3A_475 = tpu.vector_load %arg6[%get3A_474] {strides = array<i32>} : memref<16384xf32, #tpu.memory_space<vmem>>, vector<16xf32>,
      %get3A_476 = vector.shape_cast %get3A_475 : vector<16xf32> to vector<16xf32>
      %abs3A_477 = math.absf %get3A_476 : vector<16xf32>
      %gt3A_478 = arith.cmpf ogt, %abs3A_477, %select_n3A_411 : vector<16xf32>
      %select_n3A_479 = arith.select %gt3A_478, %abs3A_477, %select_n3A_411 : vector<16xi1>, vector<16xf32>
      %select_n3A_480 = arith.select %gt3A_478, %add3A_416, %select_n3A_412 : vector<16xi1>, vector<16xi32>
      %select_n3A_481 = arith.select %gt3A_478, %get3A_476, %select_n3A_413 : vector<16xi1>, vector<16xf32>
      %add3A_482 = arith.constant 64 : i32
      %add3A_483 = vector.broadcast %add3A_482 : i32 to vector<16xi32>
      %add3A_484 = arith.addi %add3A_416, %add3A_483 : vector<16xi32>
      %mul3A_485 = arith.constant 8 : i32
      %mul3A_486 = arith.muli %scan3A_350, %mul3A_485 : i32
      %add3A_487 = arith.constant 7 : i32
      %add3A_488 = arith.addi %mul3A_486, %add3A_487 : i32
      %mul3A_489 = arith.constant 16 : i32
      %mul3A_490 = arith.muli %add3A_488, %mul3A_489 : i32
      %get3A_491 = arith.index_cast %mul3A_490 : i32 to index
      %get3A_492 = tpu.vector_load %arg6[%get3A_491] {strides = array<i32>} : memref<16384xf32, #tpu.memory_space<vmem>>, vector<16xf32>,
      %get3A_493 = vector.shape_cast %get3A_492 : vector<16xf32> to vector<16xf32>
      %abs3A_494 = math.absf %get3A_493 : vector<16xf32>
      %gt3A_495 = arith.cmpf ogt, %abs3A_494, %select_n3A_428 : vector<16xf32>
      %select_n3A_496 = arith.select %gt3A_495, %abs3A_494, %select_n3A_428 : vector<16xi1>, vector<16xf32>
      %select_n3A_497 = arith.select %gt3A_495, %add3A_433, %select_n3A_429 : vector<16xi1>, vector<16xi32>
      %select_n3A_498 = arith.select %gt3A_495, %get3A_493, %select_n3A_430 : vector<16xi1>, vector<16xf32>
      %add3A_499 = arith.constant 64 : i32
      %add3A_500 = vector.broadcast %add3A_499 : i32 to vector<16xi32>
      %add3A_501 = arith.addi %add3A_433, %add3A_500 : vector<16xi32>
      scf.yield %select_n3A_445, %select_n3A_446, %select_n3A_447, %add3A_450, %select_n3A_462, %select_n3A_463, %select_n3A_464, %add3A_467, %select_n3A_479, %select_n3A_480, %select_n3A_481, %add3A_484, %select_n3A_496, %select_n3A_497, %select_n3A_498, %add3A_501 : vector<16xf32>, vector<16xi32>, vector<16xf32>, vector<16xi32>, vector<16xf32>, vector<16xi32>, vector<16xf32>, vector<16xi32>, vector<16xf32>, vector<16xi32>, vector<16xf32>, vector<16xi32>, vector<16xf32>, vector<16xi32>, vector<16xf32>, vector<16xi32>
    }
    %scan3A_131 = arith.constant 128 : i32
    %gt3A_132 = arith.cmpf ogt, %scan3A_130#4, %scan3A_130#0 : vector<16xf32>
    %eq3A_133 = arith.cmpf oeq, %scan3A_130#4, %scan3A_130#0 : vector<16xf32>
    %lt3A_134 = arith.cmpi slt, %scan3A_130#5, %scan3A_130#1 : vector<16xi32>
    %and3A_135 = arith.andi %eq3A_133, %lt3A_134 : vector<16xi1>
    %or3A_136 = arith.ori %gt3A_132, %and3A_135 : vector<16xi1>
    %select_n3A_137 = arith.select %or3A_136, %scan3A_130#4, %scan3A_130#0 : vector<16xi1>, vector<16xf32>
    %select_n3A_138 = arith.select %or3A_136, %scan3A_130#5, %scan3A_130#1 : vector<16xi1>, vector<16xi32>
    %select_n3A_139 = arith.select %or3A_136, %scan3A_130#6, %scan3A_130#2 : vector<16xi1>, vector<16xf32>
    %gt3A_140 = arith.cmpf ogt, %scan3A_130#8, %select_n3A_137 : vector<16xf32>
    %eq3A_141 = arith.cmpf oeq, %scan3A_130#8, %select_n3A_137 : vector<16xf32>
    %lt3A_142 = arith.cmpi slt, %scan3A_130#9, %select_n3A_138 : vector<16xi32>
    %and3A_143 = arith.andi %eq3A_141, %lt3A_142 : vector<16xi1>
    %or3A_144 = arith.ori %gt3A_140, %and3A_143 : vector<16xi1>
    %select_n3A_145 = arith.select %or3A_144, %scan3A_130#8, %select_n3A_137 : vector<16xi1>, vector<16xf32>
    %select_n3A_146 = arith.select %or3A_144, %scan3A_130#9, %select_n3A_138 : vector<16xi1>, vector<16xi32>
    %select_n3A_147 = arith.select %or3A_144, %scan3A_130#10, %select_n3A_139 : vector<16xi1>, vector<16xf32>
    %gt3A_148 = arith.cmpf ogt, %scan3A_130#12, %select_n3A_145 : vector<16xf32>
    %eq3A_149 = arith.cmpf oeq, %scan3A_130#12, %select_n3A_145 : vector<16xf32>
    %lt3A_150 = arith.cmpi slt, %scan3A_130#13, %select_n3A_146 : vector<16xi32>
    %and3A_151 = arith.andi %eq3A_149, %lt3A_150 : vector<16xi1>
    %or3A_152 = arith.ori %gt3A_148, %and3A_151 : vector<16xi1>
    %select_n3A_153 = arith.select %or3A_152, %scan3A_130#12, %select_n3A_145 : vector<16xi1>, vector<16xf32>
    %select_n3A_154 = arith.select %or3A_152, %scan3A_130#13, %select_n3A_146 : vector<16xi1>, vector<16xi32>
    %select_n3A_155 = arith.select %or3A_152, %scan3A_130#14, %select_n3A_147 : vector<16xi1>, vector<16xf32>
    %gt3A_156 = arith.cmpf ogt, %select_n3A_153, %select_n3A_77 : vector<16xf32>
    %eq3A_157 = arith.cmpf oeq, %select_n3A_153, %select_n3A_77 : vector<16xf32>
    %lt3A_158 = arith.cmpi slt, %select_n3A_154, %select_n3A_78 : vector<16xi32>
    %and3A_159 = arith.andi %eq3A_157, %lt3A_158 : vector<16xi1>
    %or3A_160 = arith.ori %gt3A_156, %and3A_159 : vector<16xi1>
    %select_n3A_161 = arith.select %or3A_160, %select_n3A_153, %select_n3A_77 : vector<16xi1>, vector<16xf32>
    %select_n3A_162 = arith.select %or3A_160, %select_n3A_154, %select_n3A_78 : vector<16xi1>, vector<16xi32>
    %select_n3A_163 = arith.select %or3A_160, %select_n3A_155, %select_n3A_79 : vector<16xi1>, vector<16xf32>
    %iota3A_164 = tpu.iota {dimensions = array<i32: 0>} : vector<16xi32>
    %xor3A = arith.constant 1 : i32
    %xor3A_165 = vector.broadcast %xor3A : i32 to vector<16xi32>
    %xor3A_166 = arith.xori %iota3A_164, %xor3A_165 : vector<16xi32>
    %lt3A_167 = arith.constant 0 : i32
    %lt3A_168 = vector.broadcast %lt3A_167 : i32 to vector<16xi32>
    %lt3A_169 = arith.cmpi slt, %xor3A_166, %lt3A_168 : vector<16xi32>
    %add3A_170 = arith.constant 16 : i32
    %add3A_171 = vector.broadcast %add3A_170 : i32 to vector<16xi32>
    %add3A_172 = arith.addi %xor3A_166, %add3A_171 : vector<16xi32>
    %select_n3A_173 = arith.select %lt3A_169, %add3A_172, %xor3A_166 : vector<16xi1>, vector<16xi32>
    %broadcast_in_dim3A_174 = vector.shape_cast %select_n3A_173 : vector<16xi32> to vector<16x1xi32>
    %gather3A = vector.shape_cast %broadcast_in_dim3A_174 : vector<16x1xi32> to vector<16xi32>
    %gather3A_175 = tpu.dynamic_gather %select_n3A_161[%gather3A] in [0] : vector<16xf32>, vector<16xi32> -> vector<16xf32>
    %lt3A_176 = arith.constant 0 : i32
    %lt3A_177 = vector.broadcast %lt3A_176 : i32 to vector<16xi32>
    %lt3A_178 = arith.cmpi slt, %xor3A_166, %lt3A_177 : vector<16xi32>
    %add3A_179 = arith.constant 16 : i32
    %add3A_180 = vector.broadcast %add3A_179 : i32 to vector<16xi32>
    %add3A_181 = arith.addi %xor3A_166, %add3A_180 : vector<16xi32>
    %select_n3A_182 = arith.select %lt3A_178, %add3A_181, %xor3A_166 : vector<16xi1>, vector<16xi32>
    %broadcast_in_dim3A_183 = vector.shape_cast %select_n3A_182 : vector<16xi32> to vector<16x1xi32>
    %gather3A_184 = vector.shape_cast %broadcast_in_dim3A_183 : vector<16x1xi32> to vector<16xi32>
    %gather3A_185 = tpu.dynamic_gather %select_n3A_162[%gather3A_184] in [0] : vector<16xi32>, vector<16xi32> -> vector<16xi32>
    %lt3A_186 = arith.constant 0 : i32
    %lt3A_187 = vector.broadcast %lt3A_186 : i32 to vector<16xi32>
    %lt3A_188 = arith.cmpi slt, %xor3A_166, %lt3A_187 : vector<16xi32>
    %add3A_189 = arith.constant 16 : i32
    %add3A_190 = vector.broadcast %add3A_189 : i32 to vector<16xi32>
    %add3A_191 = arith.addi %xor3A_166, %add3A_190 : vector<16xi32>
    %select_n3A_192 = arith.select %lt3A_188, %add3A_191, %xor3A_166 : vector<16xi1>, vector<16xi32>
    %broadcast_in_dim3A_193 = vector.shape_cast %select_n3A_192 : vector<16xi32> to vector<16x1xi32>
    %gather3A_194 = vector.shape_cast %broadcast_in_dim3A_193 : vector<16x1xi32> to vector<16xi32>
    %gather3A_195 = tpu.dynamic_gather %select_n3A_163[%gather3A_194] in [0] : vector<16xf32>, vector<16xi32> -> vector<16xf32>
    %gt3A_196 = arith.cmpf ogt, %gather3A_175, %select_n3A_161 : vector<16xf32>
    %eq3A_197 = arith.cmpf oeq, %gather3A_175, %select_n3A_161 : vector<16xf32>
    %lt3A_198 = arith.cmpi slt, %gather3A_185, %select_n3A_162 : vector<16xi32>
    %and3A_199 = arith.andi %eq3A_197, %lt3A_198 : vector<16xi1>
    %or3A_200 = arith.ori %gt3A_196, %and3A_199 : vector<16xi1>
    %select_n3A_201 = arith.select %or3A_200, %gather3A_175, %select_n3A_161 : vector<16xi1>, vector<16xf32>
    %select_n3A_202 = arith.select %or3A_200, %gather3A_185, %select_n3A_162 : vector<16xi1>, vector<16xi32>
    %select_n3A_203 = arith.select %or3A_200, %gather3A_195, %select_n3A_163 : vector<16xi1>, vector<16xf32>
    %xor3A_204 = arith.constant 2 : i32
    %xor3A_205 = vector.broadcast %xor3A_204 : i32 to vector<16xi32>
    %xor3A_206 = arith.xori %iota3A_164, %xor3A_205 : vector<16xi32>
    %lt3A_207 = arith.constant 0 : i32
    %lt3A_208 = vector.broadcast %lt3A_207 : i32 to vector<16xi32>
    %lt3A_209 = arith.cmpi slt, %xor3A_206, %lt3A_208 : vector<16xi32>
    %add3A_210 = arith.constant 16 : i32
    %add3A_211 = vector.broadcast %add3A_210 : i32 to vector<16xi32>
    %add3A_212 = arith.addi %xor3A_206, %add3A_211 : vector<16xi32>
    %select_n3A_213 = arith.select %lt3A_209, %add3A_212, %xor3A_206 : vector<16xi1>, vector<16xi32>
    %broadcast_in_dim3A_214 = vector.shape_cast %select_n3A_213 : vector<16xi32> to vector<16x1xi32>
    %gather3A_215 = vector.shape_cast %broadcast_in_dim3A_214 : vector<16x1xi32> to vector<16xi32>
    %gather3A_216 = tpu.dynamic_gather %select_n3A_201[%gather3A_215] in [0] : vector<16xf32>, vector<16xi32> -> vector<16xf32>
    %lt3A_217 = arith.constant 0 : i32
    %lt3A_218 = vector.broadcast %lt3A_217 : i32 to vector<16xi32>
    %lt3A_219 = arith.cmpi slt, %xor3A_206, %lt3A_218 : vector<16xi32>
    %add3A_220 = arith.constant 16 : i32
    %add3A_221 = vector.broadcast %add3A_220 : i32 to vector<16xi32>
    %add3A_222 = arith.addi %xor3A_206, %add3A_221 : vector<16xi32>
    %select_n3A_223 = arith.select %lt3A_219, %add3A_222, %xor3A_206 : vector<16xi1>, vector<16xi32>
    %broadcast_in_dim3A_224 = vector.shape_cast %select_n3A_223 : vector<16xi32> to vector<16x1xi32>
    %gather3A_225 = vector.shape_cast %broadcast_in_dim3A_224 : vector<16x1xi32> to vector<16xi32>
    %gather3A_226 = tpu.dynamic_gather %select_n3A_202[%gather3A_225] in [0] : vector<16xi32>, vector<16xi32> -> vector<16xi32>
    %lt3A_227 = arith.constant 0 : i32
    %lt3A_228 = vector.broadcast %lt3A_227 : i32 to vector<16xi32>
    %lt3A_229 = arith.cmpi slt, %xor3A_206, %lt3A_228 : vector<16xi32>
    %add3A_230 = arith.constant 16 : i32
    %add3A_231 = vector.broadcast %add3A_230 : i32 to vector<16xi32>
    %add3A_232 = arith.addi %xor3A_206, %add3A_231 : vector<16xi32>
    %select_n3A_233 = arith.select %lt3A_229, %add3A_232, %xor3A_206 : vector<16xi1>, vector<16xi32>
    %broadcast_in_dim3A_234 = vector.shape_cast %select_n3A_233 : vector<16xi32> to vector<16x1xi32>
    %gather3A_235 = vector.shape_cast %broadcast_in_dim3A_234 : vector<16x1xi32> to vector<16xi32>
    %gather3A_236 = tpu.dynamic_gather %select_n3A_203[%gather3A_235] in [0] : vector<16xf32>, vector<16xi32> -> vector<16xf32>
    %gt3A_237 = arith.cmpf ogt, %gather3A_216, %select_n3A_201 : vector<16xf32>
    %eq3A_238 = arith.cmpf oeq, %gather3A_216, %select_n3A_201 : vector<16xf32>
    %lt3A_239 = arith.cmpi slt, %gather3A_226, %select_n3A_202 : vector<16xi32>
    %and3A_240 = arith.andi %eq3A_238, %lt3A_239 : vector<16xi1>
    %or3A_241 = arith.ori %gt3A_237, %and3A_240 : vector<16xi1>
    %select_n3A_242 = arith.select %or3A_241, %gather3A_216, %select_n3A_201 : vector<16xi1>, vector<16xf32>
    %select_n3A_243 = arith.select %or3A_241, %gather3A_226, %select_n3A_202 : vector<16xi1>, vector<16xi32>
    %select_n3A_244 = arith.select %or3A_241, %gather3A_236, %select_n3A_203 : vector<16xi1>, vector<16xf32>
    %xor3A_245 = arith.constant 4 : i32
    %xor3A_246 = vector.broadcast %xor3A_245 : i32 to vector<16xi32>
    %xor3A_247 = arith.xori %iota3A_164, %xor3A_246 : vector<16xi32>
    %lt3A_248 = arith.constant 0 : i32
    %lt3A_249 = vector.broadcast %lt3A_248 : i32 to vector<16xi32>
    %lt3A_250 = arith.cmpi slt, %xor3A_247, %lt3A_249 : vector<16xi32>
    %add3A_251 = arith.constant 16 : i32
    %add3A_252 = vector.broadcast %add3A_251 : i32 to vector<16xi32>
    %add3A_253 = arith.addi %xor3A_247, %add3A_252 : vector<16xi32>
    %select_n3A_254 = arith.select %lt3A_250, %add3A_253, %xor3A_247 : vector<16xi1>, vector<16xi32>
    %broadcast_in_dim3A_255 = vector.shape_cast %select_n3A_254 : vector<16xi32> to vector<16x1xi32>
    %gather3A_256 = vector.shape_cast %broadcast_in_dim3A_255 : vector<16x1xi32> to vector<16xi32>
    %gather3A_257 = tpu.dynamic_gather %select_n3A_242[%gather3A_256] in [0] : vector<16xf32>, vector<16xi32> -> vector<16xf32>
    %lt3A_258 = arith.constant 0 : i32
    %lt3A_259 = vector.broadcast %lt3A_258 : i32 to vector<16xi32>
    %lt3A_260 = arith.cmpi slt, %xor3A_247, %lt3A_259 : vector<16xi32>
    %add3A_261 = arith.constant 16 : i32
    %add3A_262 = vector.broadcast %add3A_261 : i32 to vector<16xi32>
    %add3A_263 = arith.addi %xor3A_247, %add3A_262 : vector<16xi32>
    %select_n3A_264 = arith.select %lt3A_260, %add3A_263, %xor3A_247 : vector<16xi1>, vector<16xi32>
    %broadcast_in_dim3A_265 = vector.shape_cast %select_n3A_264 : vector<16xi32> to vector<16x1xi32>
    %gather3A_266 = vector.shape_cast %broadcast_in_dim3A_265 : vector<16x1xi32> to vector<16xi32>
    %gather3A_267 = tpu.dynamic_gather %select_n3A_243[%gather3A_266] in [0] : vector<16xi32>, vector<16xi32> -> vector<16xi32>
    %lt3A_268 = arith.constant 0 : i32
    %lt3A_269 = vector.broadcast %lt3A_268 : i32 to vector<16xi32>
    %lt3A_270 = arith.cmpi slt, %xor3A_247, %lt3A_269 : vector<16xi32>
    %add3A_271 = arith.constant 16 : i32
    %add3A_272 = vector.broadcast %add3A_271 : i32 to vector<16xi32>
    %add3A_273 = arith.addi %xor3A_247, %add3A_272 : vector<16xi32>
    %select_n3A_274 = arith.select %lt3A_270, %add3A_273, %xor3A_247 : vector<16xi1>, vector<16xi32>
    %broadcast_in_dim3A_275 = vector.shape_cast %select_n3A_274 : vector<16xi32> to vector<16x1xi32>
    %gather3A_276 = vector.shape_cast %broadcast_in_dim3A_275 : vector<16x1xi32> to vector<16xi32>
    %gather3A_277 = tpu.dynamic_gather %select_n3A_244[%gather3A_276] in [0] : vector<16xf32>, vector<16xi32> -> vector<16xf32>
    %gt3A_278 = arith.cmpf ogt, %gather3A_257, %select_n3A_242 : vector<16xf32>
    %eq3A_279 = arith.cmpf oeq, %gather3A_257, %select_n3A_242 : vector<16xf32>
    %lt3A_280 = arith.cmpi slt, %gather3A_267, %select_n3A_243 : vector<16xi32>
    %and3A_281 = arith.andi %eq3A_279, %lt3A_280 : vector<16xi1>
    %or3A_282 = arith.ori %gt3A_278, %and3A_281 : vector<16xi1>
    %select_n3A_283 = arith.select %or3A_282, %gather3A_257, %select_n3A_242 : vector<16xi1>, vector<16xf32>
    %select_n3A_284 = arith.select %or3A_282, %gather3A_267, %select_n3A_243 : vector<16xi1>, vector<16xi32>
    %select_n3A_285 = arith.select %or3A_282, %gather3A_277, %select_n3A_244 : vector<16xi1>, vector<16xf32>
    %xor3A_286 = arith.constant 8 : i32
    %xor3A_287 = vector.broadcast %xor3A_286 : i32 to vector<16xi32>
    %xor3A_288 = arith.xori %iota3A_164, %xor3A_287 : vector<16xi32>
    %lt3A_289 = arith.constant 0 : i32
    %lt3A_290 = vector.broadcast %lt3A_289 : i32 to vector<16xi32>
    %lt3A_291 = arith.cmpi slt, %xor3A_288, %lt3A_290 : vector<16xi32>
    %add3A_292 = arith.constant 16 : i32
    %add3A_293 = vector.broadcast %add3A_292 : i32 to vector<16xi32>
    %add3A_294 = arith.addi %xor3A_288, %add3A_293 : vector<16xi32>
    %select_n3A_295 = arith.select %lt3A_291, %add3A_294, %xor3A_288 : vector<16xi1>, vector<16xi32>
    %broadcast_in_dim3A_296 = vector.shape_cast %select_n3A_295 : vector<16xi32> to vector<16x1xi32>
    %gather3A_297 = vector.shape_cast %broadcast_in_dim3A_296 : vector<16x1xi32> to vector<16xi32>
    %gather3A_298 = tpu.dynamic_gather %select_n3A_283[%gather3A_297] in [0] : vector<16xf32>, vector<16xi32> -> vector<16xf32>
    %lt3A_299 = arith.constant 0 : i32
    %lt3A_300 = vector.broadcast %lt3A_299 : i32 to vector<16xi32>
    %lt3A_301 = arith.cmpi slt, %xor3A_288, %lt3A_300 : vector<16xi32>
    %add3A_302 = arith.constant 16 : i32
    %add3A_303 = vector.broadcast %add3A_302 : i32 to vector<16xi32>
    %add3A_304 = arith.addi %xor3A_288, %add3A_303 : vector<16xi32>
    %select_n3A_305 = arith.select %lt3A_301, %add3A_304, %xor3A_288 : vector<16xi1>, vector<16xi32>
    %broadcast_in_dim3A_306 = vector.shape_cast %select_n3A_305 : vector<16xi32> to vector<16x1xi32>
    %gather3A_307 = vector.shape_cast %broadcast_in_dim3A_306 : vector<16x1xi32> to vector<16xi32>
    %gather3A_308 = tpu.dynamic_gather %select_n3A_284[%gather3A_307] in [0] : vector<16xi32>, vector<16xi32> -> vector<16xi32>
    %lt3A_309 = arith.constant 0 : i32
    %lt3A_310 = vector.broadcast %lt3A_309 : i32 to vector<16xi32>
    %lt3A_311 = arith.cmpi slt, %xor3A_288, %lt3A_310 : vector<16xi32>
    %add3A_312 = arith.constant 16 : i32
    %add3A_313 = vector.broadcast %add3A_312 : i32 to vector<16xi32>
    %add3A_314 = arith.addi %xor3A_288, %add3A_313 : vector<16xi32>
    %select_n3A_315 = arith.select %lt3A_311, %add3A_314, %xor3A_288 : vector<16xi1>, vector<16xi32>
    %broadcast_in_dim3A_316 = vector.shape_cast %select_n3A_315 : vector<16xi32> to vector<16x1xi32>
    %gather3A_317 = vector.shape_cast %broadcast_in_dim3A_316 : vector<16x1xi32> to vector<16xi32>
    %gather3A_318 = tpu.dynamic_gather %select_n3A_285[%gather3A_317] in [0] : vector<16xf32>, vector<16xi32> -> vector<16xf32>
    %gt3A_319 = arith.cmpf ogt, %gather3A_298, %select_n3A_283 : vector<16xf32>
    %eq3A_320 = arith.cmpf oeq, %gather3A_298, %select_n3A_283 : vector<16xf32>
    %lt3A_321 = arith.cmpi slt, %gather3A_308, %select_n3A_284 : vector<16xi32>
    %and3A_322 = arith.andi %eq3A_320, %lt3A_321 : vector<16xi1>
    %or3A_323 = arith.ori %gt3A_319, %and3A_322 : vector<16xi1>
    %select_n3A_324 = arith.select %or3A_323, %gather3A_298, %select_n3A_283 : vector<16xi1>, vector<16xf32>
    %select_n3A_325 = arith.select %or3A_323, %gather3A_308, %select_n3A_284 : vector<16xi1>, vector<16xi32>
    %select_n3A_326 = arith.select %or3A_323, %gather3A_318, %select_n3A_285 : vector<16xi1>, vector<16xf32>
    %neg3A = arith.constant 0.000000e+00 : f32
    %neg3A_327 = vector.broadcast %neg3A : f32 to vector<16xf32>
    %neg3A_328 = arith.subf %neg3A_327, %select_n3A_326 : vector<16xf32>
    %exp3A = math.exp %neg3A_328 : vector<16xf32>
    %add3A_329 = arith.constant 1.000000e+00 : f32
    %add3A_330 = vector.broadcast %add3A_329 : f32 to vector<16xf32>
    %add3A_331 = arith.addf %add3A_330, %exp3A : vector<16xf32>
    %div3A = arith.constant 1.000000e+00 : f32
    %div3A_332 = vector.broadcast %div3A : f32 to vector<16xf32>
    %div3A_333 = arith.divf %div3A_332, %add3A_331 : vector<16xf32>
    %eq3A_334 = vector.broadcast %arg1 : i32 to vector<16xi32>
    %eq3A_335 = arith.cmpi eq, %iota3A_164, %eq3A_334 : vector<16xi32>
    %get3A = arith.constant 0 : index
    %get3A_336 = tpu.vector_load %arg7[%get3A] {strides = array<i32>} : memref<16xf32, #tpu.memory_space<vmem>>, vector<16xf32>,
    %get3A_337 = vector.shape_cast %get3A_336 : vector<16xf32> to vector<16xf32>
    %mul3A_338 = arith.mulf %get3A_337, %div3A_333 : vector<16xf32>
    %broadcast_in_dim3A_339 = arith.constant 0.000000e+00 : f32
    %broadcast_in_dim3A_340 = vector.broadcast %broadcast_in_dim3A_339 : f32 to vector<16xf32>
    %select_n3A_341 = arith.select %eq3A_335, %mul3A_338, %broadcast_in_dim3A_340 : vector<16xi1>, vector<16xf32>
    %swap3A = arith.constant 0 : index
    %swap3A_342 = tpu.vector_load %arg8[%swap3A] {strides = array<i32>} : memref<16xf32, #tpu.memory_space<vmem>>, vector<16xf32>,
    %swap3A_343 = vector.shape_cast %swap3A_342 : vector<16xf32> to vector<16xf32>
    %swap3A_344 = vector.shape_cast %select_n3A_341 : vector<16xf32> to vector<16xf32>
    tpu.vector_store %arg8[%swap3A], %swap3A_344 {strides = array<i32>} : memref<16xf32, #tpu.memory_space<vmem>>, vector<16xf32>,
    %mul3A_345 = arith.constant 16 : i32
    %mul3A_346 = arith.muli %arg1, %mul3A_345 : i32
    "tpu.region"() ({
      %run_scoped3A = tpu.sem_alloc : memref<!tpu.dma_semaphore, #tpu.memory_space<semaphore_mem>>
      %dma_start3A_350 = tpu.memref_slice %arg11[%mul3A_346] : memref<256xf32, #tpu.memory_space<vmem_shared>> -> memref<16xf32, #tpu.memory_space<vmem_shared>>
      %dma_start3A_351 = tpu.memref_slice %arg11[%mul3A_346] : memref<256xf32, #tpu.memory_space<vmem_shared>> -> memref<16xf32, #tpu.memory_space<vmem_shared>>
      tpu.enqueue_dma source(%arg8 : memref<16xf32, #tpu.memory_space<vmem>>) target(%dma_start3A_351 : memref<16xf32, #tpu.memory_space<vmem_shared>>) target_semaphore(%run_scoped3A : memref<!tpu.dma_semaphore, #tpu.memory_space<semaphore_mem>>)
      %dma_wait3A_352 = tpu.memref_slice %arg11[%mul3A_346] : memref<256xf32, #tpu.memory_space<vmem_shared>> -> memref<16xf32, #tpu.memory_space<vmem_shared>>
      %dma_wait3A_353 = tpu.memref_slice %arg11[%mul3A_346] : memref<256xf32, #tpu.memory_space<vmem_shared>> -> memref<16xf32, #tpu.memory_space<vmem_shared>>
      tpu.wait_dma2 semaphore(%run_scoped3A : memref<!tpu.dma_semaphore, #tpu.memory_space<semaphore_mem>>) src(%arg8 : memref<16xf32, #tpu.memory_space<vmem>>) dst(%dma_wait3A_353 : memref<16xf32, #tpu.memory_space<vmem_shared>>)
      tpu.yield
    }) : () -> ()
    %barrier3A = arith.constant 0 : index
    tpu.barrier barrier_id(%barrier3A)
    %eq3A_347 = arith.constant 0 : i32
    %eq3A_348 = arith.cmpi eq, %arg1, %eq3A_347 : i32
    %convert_element_type3A = arith.extui %eq3A_348 : i1 to i32
    %cond3A = arith.constant 0 : i32
    %cond3A_349 = arith.cmpi ne, %convert_element_type3A, %cond3A : i32
    scf.if %cond3A_349 {
      "tpu.region"() ({
        %run_scoped3A = tpu.sem_alloc : memref<!tpu.dma_semaphore, #tpu.memory_space<semaphore_mem>>
        tpu.enqueue_dma source(%arg11 : memref<256xf32, #tpu.memory_space<vmem_shared>>) target(%arg9 : memref<256xf32, #tpu.memory_space<vmem>>) target_semaphore(%run_scoped3A : memref<!tpu.dma_semaphore, #tpu.memory_space<semaphore_mem>>)
        tpu.wait_dma2 semaphore(%run_scoped3A : memref<!tpu.dma_semaphore, #tpu.memory_space<semaphore_mem>>) src(%arg11 : memref<256xf32, #tpu.memory_space<vmem_shared>>) dst(%arg9 : memref<256xf32, #tpu.memory_space<vmem>>)
        tpu.yield
      }) : () -> ()
      %get3A_350 = arith.constant 0 : index
      %get3A_351 = tpu.vector_load %arg9[%get3A_350] {strides = array<i32>} : memref<256xf32, #tpu.memory_space<vmem>>, vector<16xf32>,
      %get3A_352 = vector.shape_cast %get3A_351 : vector<16xf32> to vector<16xf32>
      %get3A_353 = arith.constant 16 : index
      %get3A_354 = tpu.vector_load %arg9[%get3A_353] {strides = array<i32>} : memref<256xf32, #tpu.memory_space<vmem>>, vector<16xf32>,
      %get3A_355 = vector.shape_cast %get3A_354 : vector<16xf32> to vector<16xf32>
      %add3A_356 = arith.addf %get3A_352, %get3A_355 : vector<16xf32>
      %get3A_357 = arith.constant 32 : index
      %get3A_358 = tpu.vector_load %arg9[%get3A_357] {strides = array<i32>} : memref<256xf32, #tpu.memory_space<vmem>>, vector<16xf32>,
      %get3A_359 = vector.shape_cast %get3A_358 : vector<16xf32> to vector<16xf32>
      %add3A_360 = arith.addf %add3A_356, %get3A_359 : vector<16xf32>
      %get3A_361 = arith.constant 48 : index
      %get3A_362 = tpu.vector_load %arg9[%get3A_361] {strides = array<i32>} : memref<256xf32, #tpu.memory_space<vmem>>, vector<16xf32>,
      %get3A_363 = vector.shape_cast %get3A_362 : vector<16xf32> to vector<16xf32>
      %add3A_364 = arith.addf %add3A_360, %get3A_363 : vector<16xf32>
      %get3A_365 = arith.constant 64 : index
      %get3A_366 = tpu.vector_load %arg9[%get3A_365] {strides = array<i32>} : memref<256xf32, #tpu.memory_space<vmem>>, vector<16xf32>,
      %get3A_367 = vector.shape_cast %get3A_366 : vector<16xf32> to vector<16xf32>
      %add3A_368 = arith.addf %add3A_364, %get3A_367 : vector<16xf32>
      %get3A_369 = arith.constant 80 : index
      %get3A_370 = tpu.vector_load %arg9[%get3A_369] {strides = array<i32>} : memref<256xf32, #tpu.memory_space<vmem>>, vector<16xf32>,
      %get3A_371 = vector.shape_cast %get3A_370 : vector<16xf32> to vector<16xf32>
      %add3A_372 = arith.addf %add3A_368, %get3A_371 : vector<16xf32>
      %get3A_373 = arith.constant 96 : index
      %get3A_374 = tpu.vector_load %arg9[%get3A_373] {strides = array<i32>} : memref<256xf32, #tpu.memory_space<vmem>>, vector<16xf32>,
      %get3A_375 = vector.shape_cast %get3A_374 : vector<16xf32> to vector<16xf32>
      %add3A_376 = arith.addf %add3A_372, %get3A_375 : vector<16xf32>
      %get3A_377 = arith.constant 112 : index
      %get3A_378 = tpu.vector_load %arg9[%get3A_377] {strides = array<i32>} : memref<256xf32, #tpu.memory_space<vmem>>, vector<16xf32>,
      %get3A_379 = vector.shape_cast %get3A_378 : vector<16xf32> to vector<16xf32>
      %add3A_380 = arith.addf %add3A_376, %get3A_379 : vector<16xf32>
      %get3A_381 = arith.constant 128 : index
      %get3A_382 = tpu.vector_load %arg9[%get3A_381] {strides = array<i32>} : memref<256xf32, #tpu.memory_space<vmem>>, vector<16xf32>,
      %get3A_383 = vector.shape_cast %get3A_382 : vector<16xf32> to vector<16xf32>
      %add3A_384 = arith.addf %add3A_380, %get3A_383 : vector<16xf32>
      %get3A_385 = arith.constant 144 : index
      %get3A_386 = tpu.vector_load %arg9[%get3A_385] {strides = array<i32>} : memref<256xf32, #tpu.memory_space<vmem>>, vector<16xf32>,
      %get3A_387 = vector.shape_cast %get3A_386 : vector<16xf32> to vector<16xf32>
      %add3A_388 = arith.addf %add3A_384, %get3A_387 : vector<16xf32>
      %get3A_389 = arith.constant 160 : index
      %get3A_390 = tpu.vector_load %arg9[%get3A_389] {strides = array<i32>} : memref<256xf32, #tpu.memory_space<vmem>>, vector<16xf32>,
      %get3A_391 = vector.shape_cast %get3A_390 : vector<16xf32> to vector<16xf32>
      %add3A_392 = arith.addf %add3A_388, %get3A_391 : vector<16xf32>
      %get3A_393 = arith.constant 176 : index
      %get3A_394 = tpu.vector_load %arg9[%get3A_393] {strides = array<i32>} : memref<256xf32, #tpu.memory_space<vmem>>, vector<16xf32>,
      %get3A_395 = vector.shape_cast %get3A_394 : vector<16xf32> to vector<16xf32>
      %add3A_396 = arith.addf %add3A_392, %get3A_395 : vector<16xf32>
      %get3A_397 = arith.constant 192 : index
      %get3A_398 = tpu.vector_load %arg9[%get3A_397] {strides = array<i32>} : memref<256xf32, #tpu.memory_space<vmem>>, vector<16xf32>,
      %get3A_399 = vector.shape_cast %get3A_398 : vector<16xf32> to vector<16xf32>
      %add3A_400 = arith.addf %add3A_396, %get3A_399 : vector<16xf32>
      %get3A_401 = arith.constant 208 : index
      %get3A_402 = tpu.vector_load %arg9[%get3A_401] {strides = array<i32>} : memref<256xf32, #tpu.memory_space<vmem>>, vector<16xf32>,
      %get3A_403 = vector.shape_cast %get3A_402 : vector<16xf32> to vector<16xf32>
      %add3A_404 = arith.addf %add3A_400, %get3A_403 : vector<16xf32>
      %get3A_405 = arith.constant 224 : index
      %get3A_406 = tpu.vector_load %arg9[%get3A_405] {strides = array<i32>} : memref<256xf32, #tpu.memory_space<vmem>>, vector<16xf32>,
      %get3A_407 = vector.shape_cast %get3A_406 : vector<16xf32> to vector<16xf32>
      %add3A_408 = arith.addf %add3A_404, %get3A_407 : vector<16xf32>
      %get3A_409 = arith.constant 240 : index
      %get3A_410 = tpu.vector_load %arg9[%get3A_409] {strides = array<i32>} : memref<256xf32, #tpu.memory_space<vmem>>, vector<16xf32>,
      %get3A_411 = vector.shape_cast %get3A_410 : vector<16xf32> to vector<16xf32>
      %add3A_412 = arith.addf %add3A_408, %get3A_411 : vector<16xf32>
      %swap3A_413 = arith.constant 0 : index
      %swap3A_414 = tpu.vector_load %arg10[%swap3A_413] {strides = array<i32>} : memref<16xf32, #tpu.memory_space<vmem>>, vector<16xf32>,
      %swap3A_415 = vector.shape_cast %swap3A_414 : vector<16xf32> to vector<16xf32>
      %swap3A_416 = vector.shape_cast %add3A_412 : vector<16xf32> to vector<16xf32>
      tpu.vector_store %arg10[%swap3A_413], %swap3A_416 {strides = array<i32>} : memref<16xf32, #tpu.memory_space<vmem>>, vector<16xf32>,
      %mul3A_417 = arith.constant 16 : i32
      %mul3A_418 = arith.muli %arg0, %mul3A_417 : i32
      "tpu.region"() ({
        %run_scoped3A = tpu.sem_alloc : memref<!tpu.dma_semaphore, #tpu.memory_space<semaphore_mem>>
        %dma_start3A_419 = tpu.memref_slice %arg4[%mul3A_418] : memref<128xf32, #tpu.memory_space<hbm>> -> memref<16xf32, #tpu.memory_space<hbm>>
        %dma_start3A_420 = tpu.memref_slice %arg4[%mul3A_418] : memref<128xf32, #tpu.memory_space<hbm>> -> memref<16xf32, #tpu.memory_space<hbm>>
        tpu.enqueue_dma source(%arg10 : memref<16xf32, #tpu.memory_space<vmem>>) target(%dma_start3A_420 : memref<16xf32, #tpu.memory_space<hbm>>) target_semaphore(%run_scoped3A : memref<!tpu.dma_semaphore, #tpu.memory_space<semaphore_mem>>)
        %dma_wait3A_421 = tpu.memref_slice %arg4[%mul3A_418] : memref<128xf32, #tpu.memory_space<hbm>> -> memref<16xf32, #tpu.memory_space<hbm>>
        %dma_wait3A_422 = tpu.memref_slice %arg4[%mul3A_418] : memref<128xf32, #tpu.memory_space<hbm>> -> memref<16xf32, #tpu.memory_space<hbm>>
        tpu.wait_dma2 semaphore(%run_scoped3A : memref<!tpu.dma_semaphore, #tpu.memory_space<semaphore_mem>>) src(%arg10 : memref<16xf32, #tpu.memory_space<vmem>>) dst(%dma_wait3A_422 : memref<16xf32, #tpu.memory_space<hbm>>)
        tpu.yield
      }) : () -> ()
    } else {
    }
    return
  }
}

module attributes {stable_mosaic.version = 14 : i64} {
  func.func @_tc_body(%arg0: i32, %arg1: i32, %arg2: memref<32x8192xf32, #tpu.memory_space<vmem>>, %arg3: memref<1x128xf32, #tpu.memory_space<vmem>>, %arg4: memref<8x32x128xf32, #tpu.memory_space<vmem>>, %arg5: memref<8x32x128xi32, #tpu.memory_space<vmem>>, %arg6: memref<8x32x128xf32, #tpu.memory_space<vmem>>, %arg7: memref<128x1xf32, #tpu.memory_space<vmem>>) attributes {dimension_semantics = [#tpu.dimension_semantics<arbitrary>, #tpu.dimension_semantics<arbitrary>], iteration_bounds = array<i64: 3, 4>, scalar_prefetch = 0 : i64, scratch_operands = 4 : i64, tpu.core_type = #tpu.core_type<tc>, window_params = [{transform_indices = @transform_0, window_bounds = array<i64: 32, 8192>}, {pipeline_mode = #tpu.pipeline_mode<synchronous>, transform_indices = @transform_1, window_bounds = array<i64: 1, 128>}]} {
    %eq3A = arith.constant 0 : i32
    %eq3A_0 = arith.cmpi eq, %arg1, %eq3A : i32
    %convert_element_type3A = arith.extui %eq3A_0 : i1 to i32
    %cond3A = arith.constant 0 : i32
    %cond3A_1 = arith.cmpi ne, %convert_element_type3A, %cond3A : i32
    scf.if %cond3A_1 {
      %broadcast_in_dim3A = arith.constant -1.000000e+00 : f32
      %broadcast_in_dim3A_1041 = vector.broadcast %broadcast_in_dim3A : f32 to vector<8x32x128xf32>
      %swap3A_1042 = arith.constant 0 : index
      %swap3A_1043 = arith.constant 0 : index
      %swap3A_1044 = arith.constant 0 : index
      %swap3A_1045 = vector.load %arg4[%swap3A_1042, %swap3A_1043, %swap3A_1044] : memref<8x32x128xf32, #tpu.memory_space<vmem>>, vector<8x32x128xf32>
      tpu.vector_store %arg4[%swap3A_1042, %swap3A_1043, %swap3A_1044], %broadcast_in_dim3A_1041 {strides = array<i32>} : memref<8x32x128xf32, #tpu.memory_space<vmem>>, vector<8x32x128xf32>,
      %broadcast_in_dim3A_1046 = arith.constant 0 : i32
      %broadcast_in_dim3A_1047 = vector.broadcast %broadcast_in_dim3A_1046 : i32 to vector<8x32x128xi32>
      %swap3A_1048 = arith.constant 0 : index
      %swap3A_1049 = arith.constant 0 : index
      %swap3A_1050 = arith.constant 0 : index
      %swap3A_1051 = vector.load %arg5[%swap3A_1048, %swap3A_1049, %swap3A_1050] : memref<8x32x128xi32, #tpu.memory_space<vmem>>, vector<8x32x128xi32>
      tpu.vector_store %arg5[%swap3A_1048, %swap3A_1049, %swap3A_1050], %broadcast_in_dim3A_1047 {strides = array<i32>} : memref<8x32x128xi32, #tpu.memory_space<vmem>>, vector<8x32x128xi32>,
      %broadcast_in_dim3A_1052 = arith.constant 0.000000e+00 : f32
      %broadcast_in_dim3A_1053 = vector.broadcast %broadcast_in_dim3A_1052 : f32 to vector<8x32x128xf32>
      %swap3A_1054 = arith.constant 0 : index
      %swap3A_1055 = arith.constant 0 : index
      %swap3A_1056 = arith.constant 0 : index
      %swap3A_1057 = vector.load %arg6[%swap3A_1054, %swap3A_1055, %swap3A_1056] : memref<8x32x128xf32, #tpu.memory_space<vmem>>, vector<8x32x128xf32>
      tpu.vector_store %arg6[%swap3A_1054, %swap3A_1055, %swap3A_1056], %broadcast_in_dim3A_1053 {strides = array<i32>} : memref<8x32x128xf32, #tpu.memory_space<vmem>>, vector<8x32x128xf32>,
    } else {
    }
    %iota3A = tpu.iota {dimensions = array<i32: 1>} : vector<32x128xi32>
    %mul3A = arith.constant 8192 : i32
    %mul3A_2 = arith.muli %arg1, %mul3A : i32
    %get3A = arith.constant 0 : index
    %get3A_3 = arith.constant 0 : index
    %get3A_4 = arith.constant 0 : index
    %get3A_5 = vector.load %arg4[%get3A, %get3A_3, %get3A_4] : memref<8x32x128xf32, #tpu.memory_space<vmem>>, vector<1x32x128xf32>
    %get3A_6 = vector.shape_cast %get3A_5 : vector<1x32x128xf32> to vector<32x128xf32>
    %get3A_7 = arith.constant 0 : index
    %get3A_8 = arith.constant 0 : index
    %get3A_9 = arith.constant 0 : index
    %get3A_10 = vector.load %arg5[%get3A_7, %get3A_8, %get3A_9] : memref<8x32x128xi32, #tpu.memory_space<vmem>>, vector<1x32x128xi32>
    %get3A_11 = vector.shape_cast %get3A_10 : vector<1x32x128xi32> to vector<32x128xi32>
    %get3A_12 = arith.constant 0 : index
    %get3A_13 = arith.constant 0 : index
    %get3A_14 = arith.constant 0 : index
    %get3A_15 = vector.load %arg6[%get3A_12, %get3A_13, %get3A_14] : memref<8x32x128xf32, #tpu.memory_space<vmem>>, vector<1x32x128xf32>
    %get3A_16 = vector.shape_cast %get3A_15 : vector<1x32x128xf32> to vector<32x128xf32>
    %get3A_17 = arith.constant 1 : index
    %get3A_18 = arith.constant 0 : index
    %get3A_19 = arith.constant 0 : index
    %get3A_20 = vector.load %arg4[%get3A_17, %get3A_18, %get3A_19] : memref<8x32x128xf32, #tpu.memory_space<vmem>>, vector<1x32x128xf32>
    %get3A_21 = vector.shape_cast %get3A_20 : vector<1x32x128xf32> to vector<32x128xf32>
    %get3A_22 = arith.constant 1 : index
    %get3A_23 = arith.constant 0 : index
    %get3A_24 = arith.constant 0 : index
    %get3A_25 = vector.load %arg5[%get3A_22, %get3A_23, %get3A_24] : memref<8x32x128xi32, #tpu.memory_space<vmem>>, vector<1x32x128xi32>
    %get3A_26 = vector.shape_cast %get3A_25 : vector<1x32x128xi32> to vector<32x128xi32>
    %get3A_27 = arith.constant 1 : index
    %get3A_28 = arith.constant 0 : index
    %get3A_29 = arith.constant 0 : index
    %get3A_30 = vector.load %arg6[%get3A_27, %get3A_28, %get3A_29] : memref<8x32x128xf32, #tpu.memory_space<vmem>>, vector<1x32x128xf32>
    %get3A_31 = vector.shape_cast %get3A_30 : vector<1x32x128xf32> to vector<32x128xf32>
    %get3A_32 = arith.constant 2 : index
    %get3A_33 = arith.constant 0 : index
    %get3A_34 = arith.constant 0 : index
    %get3A_35 = vector.load %arg4[%get3A_32, %get3A_33, %get3A_34] : memref<8x32x128xf32, #tpu.memory_space<vmem>>, vector<1x32x128xf32>
    %get3A_36 = vector.shape_cast %get3A_35 : vector<1x32x128xf32> to vector<32x128xf32>
    %get3A_37 = arith.constant 2 : index
    %get3A_38 = arith.constant 0 : index
    %get3A_39 = arith.constant 0 : index
    %get3A_40 = vector.load %arg5[%get3A_37, %get3A_38, %get3A_39] : memref<8x32x128xi32, #tpu.memory_space<vmem>>, vector<1x32x128xi32>
    %get3A_41 = vector.shape_cast %get3A_40 : vector<1x32x128xi32> to vector<32x128xi32>
    %get3A_42 = arith.constant 2 : index
    %get3A_43 = arith.constant 0 : index
    %get3A_44 = arith.constant 0 : index
    %get3A_45 = vector.load %arg6[%get3A_42, %get3A_43, %get3A_44] : memref<8x32x128xf32, #tpu.memory_space<vmem>>, vector<1x32x128xf32>
    %get3A_46 = vector.shape_cast %get3A_45 : vector<1x32x128xf32> to vector<32x128xf32>
    %get3A_47 = arith.constant 3 : index
    %get3A_48 = arith.constant 0 : index
    %get3A_49 = arith.constant 0 : index
    %get3A_50 = vector.load %arg4[%get3A_47, %get3A_48, %get3A_49] : memref<8x32x128xf32, #tpu.memory_space<vmem>>, vector<1x32x128xf32>
    %get3A_51 = vector.shape_cast %get3A_50 : vector<1x32x128xf32> to vector<32x128xf32>
    %get3A_52 = arith.constant 3 : index
    %get3A_53 = arith.constant 0 : index
    %get3A_54 = arith.constant 0 : index
    %get3A_55 = vector.load %arg5[%get3A_52, %get3A_53, %get3A_54] : memref<8x32x128xi32, #tpu.memory_space<vmem>>, vector<1x32x128xi32>
    %get3A_56 = vector.shape_cast %get3A_55 : vector<1x32x128xi32> to vector<32x128xi32>
    %get3A_57 = arith.constant 3 : index
    %get3A_58 = arith.constant 0 : index
    %get3A_59 = arith.constant 0 : index
    %get3A_60 = vector.load %arg6[%get3A_57, %get3A_58, %get3A_59] : memref<8x32x128xf32, #tpu.memory_space<vmem>>, vector<1x32x128xf32>
    %get3A_61 = vector.shape_cast %get3A_60 : vector<1x32x128xf32> to vector<32x128xf32>
    %get3A_62 = arith.constant 4 : index
    %get3A_63 = arith.constant 0 : index
    %get3A_64 = arith.constant 0 : index
    %get3A_65 = vector.load %arg4[%get3A_62, %get3A_63, %get3A_64] : memref<8x32x128xf32, #tpu.memory_space<vmem>>, vector<1x32x128xf32>
    %get3A_66 = vector.shape_cast %get3A_65 : vector<1x32x128xf32> to vector<32x128xf32>
    %get3A_67 = arith.constant 4 : index
    %get3A_68 = arith.constant 0 : index
    %get3A_69 = arith.constant 0 : index
    %get3A_70 = vector.load %arg5[%get3A_67, %get3A_68, %get3A_69] : memref<8x32x128xi32, #tpu.memory_space<vmem>>, vector<1x32x128xi32>
    %get3A_71 = vector.shape_cast %get3A_70 : vector<1x32x128xi32> to vector<32x128xi32>
    %get3A_72 = arith.constant 4 : index
    %get3A_73 = arith.constant 0 : index
    %get3A_74 = arith.constant 0 : index
    %get3A_75 = vector.load %arg6[%get3A_72, %get3A_73, %get3A_74] : memref<8x32x128xf32, #tpu.memory_space<vmem>>, vector<1x32x128xf32>
    %get3A_76 = vector.shape_cast %get3A_75 : vector<1x32x128xf32> to vector<32x128xf32>
    %get3A_77 = arith.constant 5 : index
    %get3A_78 = arith.constant 0 : index
    %get3A_79 = arith.constant 0 : index
    %get3A_80 = vector.load %arg4[%get3A_77, %get3A_78, %get3A_79] : memref<8x32x128xf32, #tpu.memory_space<vmem>>, vector<1x32x128xf32>
    %get3A_81 = vector.shape_cast %get3A_80 : vector<1x32x128xf32> to vector<32x128xf32>
    %get3A_82 = arith.constant 5 : index
    %get3A_83 = arith.constant 0 : index
    %get3A_84 = arith.constant 0 : index
    %get3A_85 = vector.load %arg5[%get3A_82, %get3A_83, %get3A_84] : memref<8x32x128xi32, #tpu.memory_space<vmem>>, vector<1x32x128xi32>
    %get3A_86 = vector.shape_cast %get3A_85 : vector<1x32x128xi32> to vector<32x128xi32>
    %get3A_87 = arith.constant 5 : index
    %get3A_88 = arith.constant 0 : index
    %get3A_89 = arith.constant 0 : index
    %get3A_90 = vector.load %arg6[%get3A_87, %get3A_88, %get3A_89] : memref<8x32x128xf32, #tpu.memory_space<vmem>>, vector<1x32x128xf32>
    %get3A_91 = vector.shape_cast %get3A_90 : vector<1x32x128xf32> to vector<32x128xf32>
    %get3A_92 = arith.constant 6 : index
    %get3A_93 = arith.constant 0 : index
    %get3A_94 = arith.constant 0 : index
    %get3A_95 = vector.load %arg4[%get3A_92, %get3A_93, %get3A_94] : memref<8x32x128xf32, #tpu.memory_space<vmem>>, vector<1x32x128xf32>
    %get3A_96 = vector.shape_cast %get3A_95 : vector<1x32x128xf32> to vector<32x128xf32>
    %get3A_97 = arith.constant 6 : index
    %get3A_98 = arith.constant 0 : index
    %get3A_99 = arith.constant 0 : index
    %get3A_100 = vector.load %arg5[%get3A_97, %get3A_98, %get3A_99] : memref<8x32x128xi32, #tpu.memory_space<vmem>>, vector<1x32x128xi32>
    %get3A_101 = vector.shape_cast %get3A_100 : vector<1x32x128xi32> to vector<32x128xi32>
    %get3A_102 = arith.constant 6 : index
    %get3A_103 = arith.constant 0 : index
    %get3A_104 = arith.constant 0 : index
    %get3A_105 = vector.load %arg6[%get3A_102, %get3A_103, %get3A_104] : memref<8x32x128xf32, #tpu.memory_space<vmem>>, vector<1x32x128xf32>
    %get3A_106 = vector.shape_cast %get3A_105 : vector<1x32x128xf32> to vector<32x128xf32>
    %get3A_107 = arith.constant 7 : index
    %get3A_108 = arith.constant 0 : index
    %get3A_109 = arith.constant 0 : index
    %get3A_110 = vector.load %arg4[%get3A_107, %get3A_108, %get3A_109] : memref<8x32x128xf32, #tpu.memory_space<vmem>>, vector<1x32x128xf32>
    %get3A_111 = vector.shape_cast %get3A_110 : vector<1x32x128xf32> to vector<32x128xf32>
    %get3A_112 = arith.constant 7 : index
    %get3A_113 = arith.constant 0 : index
    %get3A_114 = arith.constant 0 : index
    %get3A_115 = vector.load %arg5[%get3A_112, %get3A_113, %get3A_114] : memref<8x32x128xi32, #tpu.memory_space<vmem>>, vector<1x32x128xi32>
    %get3A_116 = vector.shape_cast %get3A_115 : vector<1x32x128xi32> to vector<32x128xi32>
    %get3A_117 = arith.constant 7 : index
    %get3A_118 = arith.constant 0 : index
    %get3A_119 = arith.constant 0 : index
    %get3A_120 = vector.load %arg6[%get3A_117, %get3A_118, %get3A_119] : memref<8x32x128xf32, #tpu.memory_space<vmem>>, vector<1x32x128xf32>
    %get3A_121 = vector.shape_cast %get3A_120 : vector<1x32x128xf32> to vector<32x128xf32>
    %get3A_122 = arith.constant 0 : index
    %get3A_123 = arith.constant 0 : index
    %get3A_124 = vector.load %arg2[%get3A_122, %get3A_123] : memref<32x8192xf32, #tpu.memory_space<vmem>>, vector<32x128xf32>
    %abs3A = math.absf %get3A_124 : vector<32x128xf32>
    %add3A = arith.constant 0 : i32
    %add3A_125 = arith.addi %mul3A_2, %add3A : i32
    %add3A_126 = vector.broadcast %add3A_125 : i32 to vector<32x128xi32>
    %add3A_127 = arith.addi %iota3A, %add3A_126 : vector<32x128xi32>
    %gt3A = arith.cmpf ogt, %abs3A, %get3A_6 : vector<32x128xf32>
    %select_n3A = arith.select %gt3A, %abs3A, %get3A_6 : vector<32x128xi1>, vector<32x128xf32>
    %select_n3A_128 = arith.select %gt3A, %add3A_127, %get3A_11 : vector<32x128xi1>, vector<32x128xi32>
    %select_n3A_129 = arith.select %gt3A, %get3A_124, %get3A_16 : vector<32x128xi1>, vector<32x128xf32>
    %get3A_130 = arith.constant 0 : index
    %get3A_131 = arith.constant 128 : index
    %get3A_132 = vector.load %arg2[%get3A_130, %get3A_131] : memref<32x8192xf32, #tpu.memory_space<vmem>>, vector<32x128xf32>
    %abs3A_133 = math.absf %get3A_132 : vector<32x128xf32>
    %add3A_134 = arith.constant 128 : i32
    %add3A_135 = arith.addi %mul3A_2, %add3A_134 : i32
    %add3A_136 = vector.broadcast %add3A_135 : i32 to vector<32x128xi32>
    %add3A_137 = arith.addi %iota3A, %add3A_136 : vector<32x128xi32>
    %gt3A_138 = arith.cmpf ogt, %abs3A_133, %get3A_21 : vector<32x128xf32>
    %select_n3A_139 = arith.select %gt3A_138, %abs3A_133, %get3A_21 : vector<32x128xi1>, vector<32x128xf32>
    %select_n3A_140 = arith.select %gt3A_138, %add3A_137, %get3A_26 : vector<32x128xi1>, vector<32x128xi32>
    %select_n3A_141 = arith.select %gt3A_138, %get3A_132, %get3A_31 : vector<32x128xi1>, vector<32x128xf32>
    %get3A_142 = arith.constant 0 : index
    %get3A_143 = arith.constant 256 : index
    %get3A_144 = vector.load %arg2[%get3A_142, %get3A_143] : memref<32x8192xf32, #tpu.memory_space<vmem>>, vector<32x128xf32>
    %abs3A_145 = math.absf %get3A_144 : vector<32x128xf32>
    %add3A_146 = arith.constant 256 : i32
    %add3A_147 = arith.addi %mul3A_2, %add3A_146 : i32
    %add3A_148 = vector.broadcast %add3A_147 : i32 to vector<32x128xi32>
    %add3A_149 = arith.addi %iota3A, %add3A_148 : vector<32x128xi32>
    %gt3A_150 = arith.cmpf ogt, %abs3A_145, %get3A_36 : vector<32x128xf32>
    %select_n3A_151 = arith.select %gt3A_150, %abs3A_145, %get3A_36 : vector<32x128xi1>, vector<32x128xf32>
    %select_n3A_152 = arith.select %gt3A_150, %add3A_149, %get3A_41 : vector<32x128xi1>, vector<32x128xi32>
    %select_n3A_153 = arith.select %gt3A_150, %get3A_144, %get3A_46 : vector<32x128xi1>, vector<32x128xf32>
    %get3A_154 = arith.constant 0 : index
    %get3A_155 = arith.constant 384 : index
    %get3A_156 = vector.load %arg2[%get3A_154, %get3A_155] : memref<32x8192xf32, #tpu.memory_space<vmem>>, vector<32x128xf32>
    %abs3A_157 = math.absf %get3A_156 : vector<32x128xf32>
    %add3A_158 = arith.constant 384 : i32
    %add3A_159 = arith.addi %mul3A_2, %add3A_158 : i32
    %add3A_160 = vector.broadcast %add3A_159 : i32 to vector<32x128xi32>
    %add3A_161 = arith.addi %iota3A, %add3A_160 : vector<32x128xi32>
    %gt3A_162 = arith.cmpf ogt, %abs3A_157, %get3A_51 : vector<32x128xf32>
    %select_n3A_163 = arith.select %gt3A_162, %abs3A_157, %get3A_51 : vector<32x128xi1>, vector<32x128xf32>
    %select_n3A_164 = arith.select %gt3A_162, %add3A_161, %get3A_56 : vector<32x128xi1>, vector<32x128xi32>
    %select_n3A_165 = arith.select %gt3A_162, %get3A_156, %get3A_61 : vector<32x128xi1>, vector<32x128xf32>
    %get3A_166 = arith.constant 0 : index
    %get3A_167 = arith.constant 512 : index
    %get3A_168 = vector.load %arg2[%get3A_166, %get3A_167] : memref<32x8192xf32, #tpu.memory_space<vmem>>, vector<32x128xf32>
    %abs3A_169 = math.absf %get3A_168 : vector<32x128xf32>
    %add3A_170 = arith.constant 512 : i32
    %add3A_171 = arith.addi %mul3A_2, %add3A_170 : i32
    %add3A_172 = vector.broadcast %add3A_171 : i32 to vector<32x128xi32>
    %add3A_173 = arith.addi %iota3A, %add3A_172 : vector<32x128xi32>
    %gt3A_174 = arith.cmpf ogt, %abs3A_169, %get3A_66 : vector<32x128xf32>
    %select_n3A_175 = arith.select %gt3A_174, %abs3A_169, %get3A_66 : vector<32x128xi1>, vector<32x128xf32>
    %select_n3A_176 = arith.select %gt3A_174, %add3A_173, %get3A_71 : vector<32x128xi1>, vector<32x128xi32>
    %select_n3A_177 = arith.select %gt3A_174, %get3A_168, %get3A_76 : vector<32x128xi1>, vector<32x128xf32>
    %get3A_178 = arith.constant 0 : index
    %get3A_179 = arith.constant 640 : index
    %get3A_180 = vector.load %arg2[%get3A_178, %get3A_179] : memref<32x8192xf32, #tpu.memory_space<vmem>>, vector<32x128xf32>
    %abs3A_181 = math.absf %get3A_180 : vector<32x128xf32>
    %add3A_182 = arith.constant 640 : i32
    %add3A_183 = arith.addi %mul3A_2, %add3A_182 : i32
    %add3A_184 = vector.broadcast %add3A_183 : i32 to vector<32x128xi32>
    %add3A_185 = arith.addi %iota3A, %add3A_184 : vector<32x128xi32>
    %gt3A_186 = arith.cmpf ogt, %abs3A_181, %get3A_81 : vector<32x128xf32>
    %select_n3A_187 = arith.select %gt3A_186, %abs3A_181, %get3A_81 : vector<32x128xi1>, vector<32x128xf32>
    %select_n3A_188 = arith.select %gt3A_186, %add3A_185, %get3A_86 : vector<32x128xi1>, vector<32x128xi32>
    %select_n3A_189 = arith.select %gt3A_186, %get3A_180, %get3A_91 : vector<32x128xi1>, vector<32x128xf32>
    %get3A_190 = arith.constant 0 : index
    %get3A_191 = arith.constant 768 : index
    %get3A_192 = vector.load %arg2[%get3A_190, %get3A_191] : memref<32x8192xf32, #tpu.memory_space<vmem>>, vector<32x128xf32>
    %abs3A_193 = math.absf %get3A_192 : vector<32x128xf32>
    %add3A_194 = arith.constant 768 : i32
    %add3A_195 = arith.addi %mul3A_2, %add3A_194 : i32
    %add3A_196 = vector.broadcast %add3A_195 : i32 to vector<32x128xi32>
    %add3A_197 = arith.addi %iota3A, %add3A_196 : vector<32x128xi32>
    %gt3A_198 = arith.cmpf ogt, %abs3A_193, %get3A_96 : vector<32x128xf32>
    %select_n3A_199 = arith.select %gt3A_198, %abs3A_193, %get3A_96 : vector<32x128xi1>, vector<32x128xf32>
    %select_n3A_200 = arith.select %gt3A_198, %add3A_197, %get3A_101 : vector<32x128xi1>, vector<32x128xi32>
    %select_n3A_201 = arith.select %gt3A_198, %get3A_192, %get3A_106 : vector<32x128xi1>, vector<32x128xf32>
    %get3A_202 = arith.constant 0 : index
    %get3A_203 = arith.constant 896 : index
    %get3A_204 = vector.load %arg2[%get3A_202, %get3A_203] : memref<32x8192xf32, #tpu.memory_space<vmem>>, vector<32x128xf32>
    %abs3A_205 = math.absf %get3A_204 : vector<32x128xf32>
    %add3A_206 = arith.constant 896 : i32
    %add3A_207 = arith.addi %mul3A_2, %add3A_206 : i32
    %add3A_208 = vector.broadcast %add3A_207 : i32 to vector<32x128xi32>
    %add3A_209 = arith.addi %iota3A, %add3A_208 : vector<32x128xi32>
    %gt3A_210 = arith.cmpf ogt, %abs3A_205, %get3A_111 : vector<32x128xf32>
    %select_n3A_211 = arith.select %gt3A_210, %abs3A_205, %get3A_111 : vector<32x128xi1>, vector<32x128xf32>
    %select_n3A_212 = arith.select %gt3A_210, %add3A_209, %get3A_116 : vector<32x128xi1>, vector<32x128xi32>
    %select_n3A_213 = arith.select %gt3A_210, %get3A_204, %get3A_121 : vector<32x128xi1>, vector<32x128xf32>
    %get3A_214 = arith.constant 0 : index
    %get3A_215 = arith.constant 1024 : index
    %get3A_216 = vector.load %arg2[%get3A_214, %get3A_215] : memref<32x8192xf32, #tpu.memory_space<vmem>>, vector<32x128xf32>
    %abs3A_217 = math.absf %get3A_216 : vector<32x128xf32>
    %add3A_218 = arith.constant 1024 : i32
    %add3A_219 = arith.addi %mul3A_2, %add3A_218 : i32
    %add3A_220 = vector.broadcast %add3A_219 : i32 to vector<32x128xi32>
    %add3A_221 = arith.addi %iota3A, %add3A_220 : vector<32x128xi32>
    %gt3A_222 = arith.cmpf ogt, %abs3A_217, %select_n3A : vector<32x128xf32>
    %select_n3A_223 = arith.select %gt3A_222, %abs3A_217, %select_n3A : vector<32x128xi1>, vector<32x128xf32>
    %select_n3A_224 = arith.select %gt3A_222, %add3A_221, %select_n3A_128 : vector<32x128xi1>, vector<32x128xi32>
    %select_n3A_225 = arith.select %gt3A_222, %get3A_216, %select_n3A_129 : vector<32x128xi1>, vector<32x128xf32>
    %get3A_226 = arith.constant 0 : index
    %get3A_227 = arith.constant 1152 : index
    %get3A_228 = vector.load %arg2[%get3A_226, %get3A_227] : memref<32x8192xf32, #tpu.memory_space<vmem>>, vector<32x128xf32>
    %abs3A_229 = math.absf %get3A_228 : vector<32x128xf32>
    %add3A_230 = arith.constant 1152 : i32
    %add3A_231 = arith.addi %mul3A_2, %add3A_230 : i32
    %add3A_232 = vector.broadcast %add3A_231 : i32 to vector<32x128xi32>
    %add3A_233 = arith.addi %iota3A, %add3A_232 : vector<32x128xi32>
    %gt3A_234 = arith.cmpf ogt, %abs3A_229, %select_n3A_139 : vector<32x128xf32>
    %select_n3A_235 = arith.select %gt3A_234, %abs3A_229, %select_n3A_139 : vector<32x128xi1>, vector<32x128xf32>
    %select_n3A_236 = arith.select %gt3A_234, %add3A_233, %select_n3A_140 : vector<32x128xi1>, vector<32x128xi32>
    %select_n3A_237 = arith.select %gt3A_234, %get3A_228, %select_n3A_141 : vector<32x128xi1>, vector<32x128xf32>
    %get3A_238 = arith.constant 0 : index
    %get3A_239 = arith.constant 1280 : index
    %get3A_240 = vector.load %arg2[%get3A_238, %get3A_239] : memref<32x8192xf32, #tpu.memory_space<vmem>>, vector<32x128xf32>
    %abs3A_241 = math.absf %get3A_240 : vector<32x128xf32>
    %add3A_242 = arith.constant 1280 : i32
    %add3A_243 = arith.addi %mul3A_2, %add3A_242 : i32
    %add3A_244 = vector.broadcast %add3A_243 : i32 to vector<32x128xi32>
    %add3A_245 = arith.addi %iota3A, %add3A_244 : vector<32x128xi32>
    %gt3A_246 = arith.cmpf ogt, %abs3A_241, %select_n3A_151 : vector<32x128xf32>
    %select_n3A_247 = arith.select %gt3A_246, %abs3A_241, %select_n3A_151 : vector<32x128xi1>, vector<32x128xf32>
    %select_n3A_248 = arith.select %gt3A_246, %add3A_245, %select_n3A_152 : vector<32x128xi1>, vector<32x128xi32>
    %select_n3A_249 = arith.select %gt3A_246, %get3A_240, %select_n3A_153 : vector<32x128xi1>, vector<32x128xf32>
    %get3A_250 = arith.constant 0 : index
    %get3A_251 = arith.constant 1408 : index
    %get3A_252 = vector.load %arg2[%get3A_250, %get3A_251] : memref<32x8192xf32, #tpu.memory_space<vmem>>, vector<32x128xf32>
    %abs3A_253 = math.absf %get3A_252 : vector<32x128xf32>
    %add3A_254 = arith.constant 1408 : i32
    %add3A_255 = arith.addi %mul3A_2, %add3A_254 : i32
    %add3A_256 = vector.broadcast %add3A_255 : i32 to vector<32x128xi32>
    %add3A_257 = arith.addi %iota3A, %add3A_256 : vector<32x128xi32>
    %gt3A_258 = arith.cmpf ogt, %abs3A_253, %select_n3A_163 : vector<32x128xf32>
    %select_n3A_259 = arith.select %gt3A_258, %abs3A_253, %select_n3A_163 : vector<32x128xi1>, vector<32x128xf32>
    %select_n3A_260 = arith.select %gt3A_258, %add3A_257, %select_n3A_164 : vector<32x128xi1>, vector<32x128xi32>
    %select_n3A_261 = arith.select %gt3A_258, %get3A_252, %select_n3A_165 : vector<32x128xi1>, vector<32x128xf32>
    %get3A_262 = arith.constant 0 : index
    %get3A_263 = arith.constant 1536 : index
    %get3A_264 = vector.load %arg2[%get3A_262, %get3A_263] : memref<32x8192xf32, #tpu.memory_space<vmem>>, vector<32x128xf32>
    %abs3A_265 = math.absf %get3A_264 : vector<32x128xf32>
    %add3A_266 = arith.constant 1536 : i32
    %add3A_267 = arith.addi %mul3A_2, %add3A_266 : i32
    %add3A_268 = vector.broadcast %add3A_267 : i32 to vector<32x128xi32>
    %add3A_269 = arith.addi %iota3A, %add3A_268 : vector<32x128xi32>
    %gt3A_270 = arith.cmpf ogt, %abs3A_265, %select_n3A_175 : vector<32x128xf32>
    %select_n3A_271 = arith.select %gt3A_270, %abs3A_265, %select_n3A_175 : vector<32x128xi1>, vector<32x128xf32>
    %select_n3A_272 = arith.select %gt3A_270, %add3A_269, %select_n3A_176 : vector<32x128xi1>, vector<32x128xi32>
    %select_n3A_273 = arith.select %gt3A_270, %get3A_264, %select_n3A_177 : vector<32x128xi1>, vector<32x128xf32>
    %get3A_274 = arith.constant 0 : index
    %get3A_275 = arith.constant 1664 : index
    %get3A_276 = vector.load %arg2[%get3A_274, %get3A_275] : memref<32x8192xf32, #tpu.memory_space<vmem>>, vector<32x128xf32>
    %abs3A_277 = math.absf %get3A_276 : vector<32x128xf32>
    %add3A_278 = arith.constant 1664 : i32
    %add3A_279 = arith.addi %mul3A_2, %add3A_278 : i32
    %add3A_280 = vector.broadcast %add3A_279 : i32 to vector<32x128xi32>
    %add3A_281 = arith.addi %iota3A, %add3A_280 : vector<32x128xi32>
    %gt3A_282 = arith.cmpf ogt, %abs3A_277, %select_n3A_187 : vector<32x128xf32>
    %select_n3A_283 = arith.select %gt3A_282, %abs3A_277, %select_n3A_187 : vector<32x128xi1>, vector<32x128xf32>
    %select_n3A_284 = arith.select %gt3A_282, %add3A_281, %select_n3A_188 : vector<32x128xi1>, vector<32x128xi32>
    %select_n3A_285 = arith.select %gt3A_282, %get3A_276, %select_n3A_189 : vector<32x128xi1>, vector<32x128xf32>
    %get3A_286 = arith.constant 0 : index
    %get3A_287 = arith.constant 1792 : index
    %get3A_288 = vector.load %arg2[%get3A_286, %get3A_287] : memref<32x8192xf32, #tpu.memory_space<vmem>>, vector<32x128xf32>
    %abs3A_289 = math.absf %get3A_288 : vector<32x128xf32>
    %add3A_290 = arith.constant 1792 : i32
    %add3A_291 = arith.addi %mul3A_2, %add3A_290 : i32
    %add3A_292 = vector.broadcast %add3A_291 : i32 to vector<32x128xi32>
    %add3A_293 = arith.addi %iota3A, %add3A_292 : vector<32x128xi32>
    %gt3A_294 = arith.cmpf ogt, %abs3A_289, %select_n3A_199 : vector<32x128xf32>
    %select_n3A_295 = arith.select %gt3A_294, %abs3A_289, %select_n3A_199 : vector<32x128xi1>, vector<32x128xf32>
    %select_n3A_296 = arith.select %gt3A_294, %add3A_293, %select_n3A_200 : vector<32x128xi1>, vector<32x128xi32>
    %select_n3A_297 = arith.select %gt3A_294, %get3A_288, %select_n3A_201 : vector<32x128xi1>, vector<32x128xf32>
    %get3A_298 = arith.constant 0 : index
    %get3A_299 = arith.constant 1920 : index
    %get3A_300 = vector.load %arg2[%get3A_298, %get3A_299] : memref<32x8192xf32, #tpu.memory_space<vmem>>, vector<32x128xf32>
    %abs3A_301 = math.absf %get3A_300 : vector<32x128xf32>
    %add3A_302 = arith.constant 1920 : i32
    %add3A_303 = arith.addi %mul3A_2, %add3A_302 : i32
    %add3A_304 = vector.broadcast %add3A_303 : i32 to vector<32x128xi32>
    %add3A_305 = arith.addi %iota3A, %add3A_304 : vector<32x128xi32>
    %gt3A_306 = arith.cmpf ogt, %abs3A_301, %select_n3A_211 : vector<32x128xf32>
    %select_n3A_307 = arith.select %gt3A_306, %abs3A_301, %select_n3A_211 : vector<32x128xi1>, vector<32x128xf32>
    %select_n3A_308 = arith.select %gt3A_306, %add3A_305, %select_n3A_212 : vector<32x128xi1>, vector<32x128xi32>
    %select_n3A_309 = arith.select %gt3A_306, %get3A_300, %select_n3A_213 : vector<32x128xi1>, vector<32x128xf32>
    %get3A_310 = arith.constant 0 : index
    %get3A_311 = arith.constant 2048 : index
    %get3A_312 = vector.load %arg2[%get3A_310, %get3A_311] : memref<32x8192xf32, #tpu.memory_space<vmem>>, vector<32x128xf32>
    %abs3A_313 = math.absf %get3A_312 : vector<32x128xf32>
    %add3A_314 = arith.constant 2048 : i32
    %add3A_315 = arith.addi %mul3A_2, %add3A_314 : i32
    %add3A_316 = vector.broadcast %add3A_315 : i32 to vector<32x128xi32>
    %add3A_317 = arith.addi %iota3A, %add3A_316 : vector<32x128xi32>
    %gt3A_318 = arith.cmpf ogt, %abs3A_313, %select_n3A_223 : vector<32x128xf32>
    %select_n3A_319 = arith.select %gt3A_318, %abs3A_313, %select_n3A_223 : vector<32x128xi1>, vector<32x128xf32>
    %select_n3A_320 = arith.select %gt3A_318, %add3A_317, %select_n3A_224 : vector<32x128xi1>, vector<32x128xi32>
    %select_n3A_321 = arith.select %gt3A_318, %get3A_312, %select_n3A_225 : vector<32x128xi1>, vector<32x128xf32>
    %get3A_322 = arith.constant 0 : index
    %get3A_323 = arith.constant 2176 : index
    %get3A_324 = vector.load %arg2[%get3A_322, %get3A_323] : memref<32x8192xf32, #tpu.memory_space<vmem>>, vector<32x128xf32>
    %abs3A_325 = math.absf %get3A_324 : vector<32x128xf32>
    %add3A_326 = arith.constant 2176 : i32
    %add3A_327 = arith.addi %mul3A_2, %add3A_326 : i32
    %add3A_328 = vector.broadcast %add3A_327 : i32 to vector<32x128xi32>
    %add3A_329 = arith.addi %iota3A, %add3A_328 : vector<32x128xi32>
    %gt3A_330 = arith.cmpf ogt, %abs3A_325, %select_n3A_235 : vector<32x128xf32>
    %select_n3A_331 = arith.select %gt3A_330, %abs3A_325, %select_n3A_235 : vector<32x128xi1>, vector<32x128xf32>
    %select_n3A_332 = arith.select %gt3A_330, %add3A_329, %select_n3A_236 : vector<32x128xi1>, vector<32x128xi32>
    %select_n3A_333 = arith.select %gt3A_330, %get3A_324, %select_n3A_237 : vector<32x128xi1>, vector<32x128xf32>
    %get3A_334 = arith.constant 0 : index
    %get3A_335 = arith.constant 2304 : index
    %get3A_336 = vector.load %arg2[%get3A_334, %get3A_335] : memref<32x8192xf32, #tpu.memory_space<vmem>>, vector<32x128xf32>
    %abs3A_337 = math.absf %get3A_336 : vector<32x128xf32>
    %add3A_338 = arith.constant 2304 : i32
    %add3A_339 = arith.addi %mul3A_2, %add3A_338 : i32
    %add3A_340 = vector.broadcast %add3A_339 : i32 to vector<32x128xi32>
    %add3A_341 = arith.addi %iota3A, %add3A_340 : vector<32x128xi32>
    %gt3A_342 = arith.cmpf ogt, %abs3A_337, %select_n3A_247 : vector<32x128xf32>
    %select_n3A_343 = arith.select %gt3A_342, %abs3A_337, %select_n3A_247 : vector<32x128xi1>, vector<32x128xf32>
    %select_n3A_344 = arith.select %gt3A_342, %add3A_341, %select_n3A_248 : vector<32x128xi1>, vector<32x128xi32>
    %select_n3A_345 = arith.select %gt3A_342, %get3A_336, %select_n3A_249 : vector<32x128xi1>, vector<32x128xf32>
    %get3A_346 = arith.constant 0 : index
    %get3A_347 = arith.constant 2432 : index
    %get3A_348 = vector.load %arg2[%get3A_346, %get3A_347] : memref<32x8192xf32, #tpu.memory_space<vmem>>, vector<32x128xf32>
    %abs3A_349 = math.absf %get3A_348 : vector<32x128xf32>
    %add3A_350 = arith.constant 2432 : i32
    %add3A_351 = arith.addi %mul3A_2, %add3A_350 : i32
    %add3A_352 = vector.broadcast %add3A_351 : i32 to vector<32x128xi32>
    %add3A_353 = arith.addi %iota3A, %add3A_352 : vector<32x128xi32>
    %gt3A_354 = arith.cmpf ogt, %abs3A_349, %select_n3A_259 : vector<32x128xf32>
    %select_n3A_355 = arith.select %gt3A_354, %abs3A_349, %select_n3A_259 : vector<32x128xi1>, vector<32x128xf32>
    %select_n3A_356 = arith.select %gt3A_354, %add3A_353, %select_n3A_260 : vector<32x128xi1>, vector<32x128xi32>
    %select_n3A_357 = arith.select %gt3A_354, %get3A_348, %select_n3A_261 : vector<32x128xi1>, vector<32x128xf32>
    %get3A_358 = arith.constant 0 : index
    %get3A_359 = arith.constant 2560 : index
    %get3A_360 = vector.load %arg2[%get3A_358, %get3A_359] : memref<32x8192xf32, #tpu.memory_space<vmem>>, vector<32x128xf32>
    %abs3A_361 = math.absf %get3A_360 : vector<32x128xf32>
    %add3A_362 = arith.constant 2560 : i32
    %add3A_363 = arith.addi %mul3A_2, %add3A_362 : i32
    %add3A_364 = vector.broadcast %add3A_363 : i32 to vector<32x128xi32>
    %add3A_365 = arith.addi %iota3A, %add3A_364 : vector<32x128xi32>
    %gt3A_366 = arith.cmpf ogt, %abs3A_361, %select_n3A_271 : vector<32x128xf32>
    %select_n3A_367 = arith.select %gt3A_366, %abs3A_361, %select_n3A_271 : vector<32x128xi1>, vector<32x128xf32>
    %select_n3A_368 = arith.select %gt3A_366, %add3A_365, %select_n3A_272 : vector<32x128xi1>, vector<32x128xi32>
    %select_n3A_369 = arith.select %gt3A_366, %get3A_360, %select_n3A_273 : vector<32x128xi1>, vector<32x128xf32>
    %get3A_370 = arith.constant 0 : index
    %get3A_371 = arith.constant 2688 : index
    %get3A_372 = vector.load %arg2[%get3A_370, %get3A_371] : memref<32x8192xf32, #tpu.memory_space<vmem>>, vector<32x128xf32>
    %abs3A_373 = math.absf %get3A_372 : vector<32x128xf32>
    %add3A_374 = arith.constant 2688 : i32
    %add3A_375 = arith.addi %mul3A_2, %add3A_374 : i32
    %add3A_376 = vector.broadcast %add3A_375 : i32 to vector<32x128xi32>
    %add3A_377 = arith.addi %iota3A, %add3A_376 : vector<32x128xi32>
    %gt3A_378 = arith.cmpf ogt, %abs3A_373, %select_n3A_283 : vector<32x128xf32>
    %select_n3A_379 = arith.select %gt3A_378, %abs3A_373, %select_n3A_283 : vector<32x128xi1>, vector<32x128xf32>
    %select_n3A_380 = arith.select %gt3A_378, %add3A_377, %select_n3A_284 : vector<32x128xi1>, vector<32x128xi32>
    %select_n3A_381 = arith.select %gt3A_378, %get3A_372, %select_n3A_285 : vector<32x128xi1>, vector<32x128xf32>
    %get3A_382 = arith.constant 0 : index
    %get3A_383 = arith.constant 2816 : index
    %get3A_384 = vector.load %arg2[%get3A_382, %get3A_383] : memref<32x8192xf32, #tpu.memory_space<vmem>>, vector<32x128xf32>
    %abs3A_385 = math.absf %get3A_384 : vector<32x128xf32>
    %add3A_386 = arith.constant 2816 : i32
    %add3A_387 = arith.addi %mul3A_2, %add3A_386 : i32
    %add3A_388 = vector.broadcast %add3A_387 : i32 to vector<32x128xi32>
    %add3A_389 = arith.addi %iota3A, %add3A_388 : vector<32x128xi32>
    %gt3A_390 = arith.cmpf ogt, %abs3A_385, %select_n3A_295 : vector<32x128xf32>
    %select_n3A_391 = arith.select %gt3A_390, %abs3A_385, %select_n3A_295 : vector<32x128xi1>, vector<32x128xf32>
    %select_n3A_392 = arith.select %gt3A_390, %add3A_389, %select_n3A_296 : vector<32x128xi1>, vector<32x128xi32>
    %select_n3A_393 = arith.select %gt3A_390, %get3A_384, %select_n3A_297 : vector<32x128xi1>, vector<32x128xf32>
    %get3A_394 = arith.constant 0 : index
    %get3A_395 = arith.constant 2944 : index
    %get3A_396 = vector.load %arg2[%get3A_394, %get3A_395] : memref<32x8192xf32, #tpu.memory_space<vmem>>, vector<32x128xf32>
    %abs3A_397 = math.absf %get3A_396 : vector<32x128xf32>
    %add3A_398 = arith.constant 2944 : i32
    %add3A_399 = arith.addi %mul3A_2, %add3A_398 : i32
    %add3A_400 = vector.broadcast %add3A_399 : i32 to vector<32x128xi32>
    %add3A_401 = arith.addi %iota3A, %add3A_400 : vector<32x128xi32>
    %gt3A_402 = arith.cmpf ogt, %abs3A_397, %select_n3A_307 : vector<32x128xf32>
    %select_n3A_403 = arith.select %gt3A_402, %abs3A_397, %select_n3A_307 : vector<32x128xi1>, vector<32x128xf32>
    %select_n3A_404 = arith.select %gt3A_402, %add3A_401, %select_n3A_308 : vector<32x128xi1>, vector<32x128xi32>
    %select_n3A_405 = arith.select %gt3A_402, %get3A_396, %select_n3A_309 : vector<32x128xi1>, vector<32x128xf32>
    %get3A_406 = arith.constant 0 : index
    %get3A_407 = arith.constant 3072 : index
    %get3A_408 = vector.load %arg2[%get3A_406, %get3A_407] : memref<32x8192xf32, #tpu.memory_space<vmem>>, vector<32x128xf32>
    %abs3A_409 = math.absf %get3A_408 : vector<32x128xf32>
    %add3A_410 = arith.constant 3072 : i32
    %add3A_411 = arith.addi %mul3A_2, %add3A_410 : i32
    %add3A_412 = vector.broadcast %add3A_411 : i32 to vector<32x128xi32>
    %add3A_413 = arith.addi %iota3A, %add3A_412 : vector<32x128xi32>
    %gt3A_414 = arith.cmpf ogt, %abs3A_409, %select_n3A_319 : vector<32x128xf32>
    %select_n3A_415 = arith.select %gt3A_414, %abs3A_409, %select_n3A_319 : vector<32x128xi1>, vector<32x128xf32>
    %select_n3A_416 = arith.select %gt3A_414, %add3A_413, %select_n3A_320 : vector<32x128xi1>, vector<32x128xi32>
    %select_n3A_417 = arith.select %gt3A_414, %get3A_408, %select_n3A_321 : vector<32x128xi1>, vector<32x128xf32>
    %get3A_418 = arith.constant 0 : index
    %get3A_419 = arith.constant 3200 : index
    %get3A_420 = vector.load %arg2[%get3A_418, %get3A_419] : memref<32x8192xf32, #tpu.memory_space<vmem>>, vector<32x128xf32>
    %abs3A_421 = math.absf %get3A_420 : vector<32x128xf32>
    %add3A_422 = arith.constant 3200 : i32
    %add3A_423 = arith.addi %mul3A_2, %add3A_422 : i32
    %add3A_424 = vector.broadcast %add3A_423 : i32 to vector<32x128xi32>
    %add3A_425 = arith.addi %iota3A, %add3A_424 : vector<32x128xi32>
    %gt3A_426 = arith.cmpf ogt, %abs3A_421, %select_n3A_331 : vector<32x128xf32>
    %select_n3A_427 = arith.select %gt3A_426, %abs3A_421, %select_n3A_331 : vector<32x128xi1>, vector<32x128xf32>
    %select_n3A_428 = arith.select %gt3A_426, %add3A_425, %select_n3A_332 : vector<32x128xi1>, vector<32x128xi32>
    %select_n3A_429 = arith.select %gt3A_426, %get3A_420, %select_n3A_333 : vector<32x128xi1>, vector<32x128xf32>
    %get3A_430 = arith.constant 0 : index
    %get3A_431 = arith.constant 3328 : index
    %get3A_432 = vector.load %arg2[%get3A_430, %get3A_431] : memref<32x8192xf32, #tpu.memory_space<vmem>>, vector<32x128xf32>
    %abs3A_433 = math.absf %get3A_432 : vector<32x128xf32>
    %add3A_434 = arith.constant 3328 : i32
    %add3A_435 = arith.addi %mul3A_2, %add3A_434 : i32
    %add3A_436 = vector.broadcast %add3A_435 : i32 to vector<32x128xi32>
    %add3A_437 = arith.addi %iota3A, %add3A_436 : vector<32x128xi32>
    %gt3A_438 = arith.cmpf ogt, %abs3A_433, %select_n3A_343 : vector<32x128xf32>
    %select_n3A_439 = arith.select %gt3A_438, %abs3A_433, %select_n3A_343 : vector<32x128xi1>, vector<32x128xf32>
    %select_n3A_440 = arith.select %gt3A_438, %add3A_437, %select_n3A_344 : vector<32x128xi1>, vector<32x128xi32>
    %select_n3A_441 = arith.select %gt3A_438, %get3A_432, %select_n3A_345 : vector<32x128xi1>, vector<32x128xf32>
    %get3A_442 = arith.constant 0 : index
    %get3A_443 = arith.constant 3456 : index
    %get3A_444 = vector.load %arg2[%get3A_442, %get3A_443] : memref<32x8192xf32, #tpu.memory_space<vmem>>, vector<32x128xf32>
    %abs3A_445 = math.absf %get3A_444 : vector<32x128xf32>
    %add3A_446 = arith.constant 3456 : i32
    %add3A_447 = arith.addi %mul3A_2, %add3A_446 : i32
    %add3A_448 = vector.broadcast %add3A_447 : i32 to vector<32x128xi32>
    %add3A_449 = arith.addi %iota3A, %add3A_448 : vector<32x128xi32>
    %gt3A_450 = arith.cmpf ogt, %abs3A_445, %select_n3A_355 : vector<32x128xf32>
    %select_n3A_451 = arith.select %gt3A_450, %abs3A_445, %select_n3A_355 : vector<32x128xi1>, vector<32x128xf32>
    %select_n3A_452 = arith.select %gt3A_450, %add3A_449, %select_n3A_356 : vector<32x128xi1>, vector<32x128xi32>
    %select_n3A_453 = arith.select %gt3A_450, %get3A_444, %select_n3A_357 : vector<32x128xi1>, vector<32x128xf32>
    %get3A_454 = arith.constant 0 : index
    %get3A_455 = arith.constant 3584 : index
    %get3A_456 = vector.load %arg2[%get3A_454, %get3A_455] : memref<32x8192xf32, #tpu.memory_space<vmem>>, vector<32x128xf32>
    %abs3A_457 = math.absf %get3A_456 : vector<32x128xf32>
    %add3A_458 = arith.constant 3584 : i32
    %add3A_459 = arith.addi %mul3A_2, %add3A_458 : i32
    %add3A_460 = vector.broadcast %add3A_459 : i32 to vector<32x128xi32>
    %add3A_461 = arith.addi %iota3A, %add3A_460 : vector<32x128xi32>
    %gt3A_462 = arith.cmpf ogt, %abs3A_457, %select_n3A_367 : vector<32x128xf32>
    %select_n3A_463 = arith.select %gt3A_462, %abs3A_457, %select_n3A_367 : vector<32x128xi1>, vector<32x128xf32>
    %select_n3A_464 = arith.select %gt3A_462, %add3A_461, %select_n3A_368 : vector<32x128xi1>, vector<32x128xi32>
    %select_n3A_465 = arith.select %gt3A_462, %get3A_456, %select_n3A_369 : vector<32x128xi1>, vector<32x128xf32>
    %get3A_466 = arith.constant 0 : index
    %get3A_467 = arith.constant 3712 : index
    %get3A_468 = vector.load %arg2[%get3A_466, %get3A_467] : memref<32x8192xf32, #tpu.memory_space<vmem>>, vector<32x128xf32>
    %abs3A_469 = math.absf %get3A_468 : vector<32x128xf32>
    %add3A_470 = arith.constant 3712 : i32
    %add3A_471 = arith.addi %mul3A_2, %add3A_470 : i32
    %add3A_472 = vector.broadcast %add3A_471 : i32 to vector<32x128xi32>
    %add3A_473 = arith.addi %iota3A, %add3A_472 : vector<32x128xi32>
    %gt3A_474 = arith.cmpf ogt, %abs3A_469, %select_n3A_379 : vector<32x128xf32>
    %select_n3A_475 = arith.select %gt3A_474, %abs3A_469, %select_n3A_379 : vector<32x128xi1>, vector<32x128xf32>
    %select_n3A_476 = arith.select %gt3A_474, %add3A_473, %select_n3A_380 : vector<32x128xi1>, vector<32x128xi32>
    %select_n3A_477 = arith.select %gt3A_474, %get3A_468, %select_n3A_381 : vector<32x128xi1>, vector<32x128xf32>
    %get3A_478 = arith.constant 0 : index
    %get3A_479 = arith.constant 3840 : index
    %get3A_480 = vector.load %arg2[%get3A_478, %get3A_479] : memref<32x8192xf32, #tpu.memory_space<vmem>>, vector<32x128xf32>
    %abs3A_481 = math.absf %get3A_480 : vector<32x128xf32>
    %add3A_482 = arith.constant 3840 : i32
    %add3A_483 = arith.addi %mul3A_2, %add3A_482 : i32
    %add3A_484 = vector.broadcast %add3A_483 : i32 to vector<32x128xi32>
    %add3A_485 = arith.addi %iota3A, %add3A_484 : vector<32x128xi32>
    %gt3A_486 = arith.cmpf ogt, %abs3A_481, %select_n3A_391 : vector<32x128xf32>
    %select_n3A_487 = arith.select %gt3A_486, %abs3A_481, %select_n3A_391 : vector<32x128xi1>, vector<32x128xf32>
    %select_n3A_488 = arith.select %gt3A_486, %add3A_485, %select_n3A_392 : vector<32x128xi1>, vector<32x128xi32>
    %select_n3A_489 = arith.select %gt3A_486, %get3A_480, %select_n3A_393 : vector<32x128xi1>, vector<32x128xf32>
    %get3A_490 = arith.constant 0 : index
    %get3A_491 = arith.constant 3968 : index
    %get3A_492 = vector.load %arg2[%get3A_490, %get3A_491] : memref<32x8192xf32, #tpu.memory_space<vmem>>, vector<32x128xf32>
    %abs3A_493 = math.absf %get3A_492 : vector<32x128xf32>
    %add3A_494 = arith.constant 3968 : i32
    %add3A_495 = arith.addi %mul3A_2, %add3A_494 : i32
    %add3A_496 = vector.broadcast %add3A_495 : i32 to vector<32x128xi32>
    %add3A_497 = arith.addi %iota3A, %add3A_496 : vector<32x128xi32>
    %gt3A_498 = arith.cmpf ogt, %abs3A_493, %select_n3A_403 : vector<32x128xf32>
    %select_n3A_499 = arith.select %gt3A_498, %abs3A_493, %select_n3A_403 : vector<32x128xi1>, vector<32x128xf32>
    %select_n3A_500 = arith.select %gt3A_498, %add3A_497, %select_n3A_404 : vector<32x128xi1>, vector<32x128xi32>
    %select_n3A_501 = arith.select %gt3A_498, %get3A_492, %select_n3A_405 : vector<32x128xi1>, vector<32x128xf32>
    %get3A_502 = arith.constant 0 : index
    %get3A_503 = arith.constant 4096 : index
    %get3A_504 = vector.load %arg2[%get3A_502, %get3A_503] : memref<32x8192xf32, #tpu.memory_space<vmem>>, vector<32x128xf32>
    %abs3A_505 = math.absf %get3A_504 : vector<32x128xf32>
    %add3A_506 = arith.constant 4096 : i32
    %add3A_507 = arith.addi %mul3A_2, %add3A_506 : i32
    %add3A_508 = vector.broadcast %add3A_507 : i32 to vector<32x128xi32>
    %add3A_509 = arith.addi %iota3A, %add3A_508 : vector<32x128xi32>
    %gt3A_510 = arith.cmpf ogt, %abs3A_505, %select_n3A_415 : vector<32x128xf32>
    %select_n3A_511 = arith.select %gt3A_510, %abs3A_505, %select_n3A_415 : vector<32x128xi1>, vector<32x128xf32>
    %select_n3A_512 = arith.select %gt3A_510, %add3A_509, %select_n3A_416 : vector<32x128xi1>, vector<32x128xi32>
    %select_n3A_513 = arith.select %gt3A_510, %get3A_504, %select_n3A_417 : vector<32x128xi1>, vector<32x128xf32>
    %get3A_514 = arith.constant 0 : index
    %get3A_515 = arith.constant 4224 : index
    %get3A_516 = vector.load %arg2[%get3A_514, %get3A_515] : memref<32x8192xf32, #tpu.memory_space<vmem>>, vector<32x128xf32>
    %abs3A_517 = math.absf %get3A_516 : vector<32x128xf32>
    %add3A_518 = arith.constant 4224 : i32
    %add3A_519 = arith.addi %mul3A_2, %add3A_518 : i32
    %add3A_520 = vector.broadcast %add3A_519 : i32 to vector<32x128xi32>
    %add3A_521 = arith.addi %iota3A, %add3A_520 : vector<32x128xi32>
    %gt3A_522 = arith.cmpf ogt, %abs3A_517, %select_n3A_427 : vector<32x128xf32>
    %select_n3A_523 = arith.select %gt3A_522, %abs3A_517, %select_n3A_427 : vector<32x128xi1>, vector<32x128xf32>
    %select_n3A_524 = arith.select %gt3A_522, %add3A_521, %select_n3A_428 : vector<32x128xi1>, vector<32x128xi32>
    %select_n3A_525 = arith.select %gt3A_522, %get3A_516, %select_n3A_429 : vector<32x128xi1>, vector<32x128xf32>
    %get3A_526 = arith.constant 0 : index
    %get3A_527 = arith.constant 4352 : index
    %get3A_528 = vector.load %arg2[%get3A_526, %get3A_527] : memref<32x8192xf32, #tpu.memory_space<vmem>>, vector<32x128xf32>
    %abs3A_529 = math.absf %get3A_528 : vector<32x128xf32>
    %add3A_530 = arith.constant 4352 : i32
    %add3A_531 = arith.addi %mul3A_2, %add3A_530 : i32
    %add3A_532 = vector.broadcast %add3A_531 : i32 to vector<32x128xi32>
    %add3A_533 = arith.addi %iota3A, %add3A_532 : vector<32x128xi32>
    %gt3A_534 = arith.cmpf ogt, %abs3A_529, %select_n3A_439 : vector<32x128xf32>
    %select_n3A_535 = arith.select %gt3A_534, %abs3A_529, %select_n3A_439 : vector<32x128xi1>, vector<32x128xf32>
    %select_n3A_536 = arith.select %gt3A_534, %add3A_533, %select_n3A_440 : vector<32x128xi1>, vector<32x128xi32>
    %select_n3A_537 = arith.select %gt3A_534, %get3A_528, %select_n3A_441 : vector<32x128xi1>, vector<32x128xf32>
    %get3A_538 = arith.constant 0 : index
    %get3A_539 = arith.constant 4480 : index
    %get3A_540 = vector.load %arg2[%get3A_538, %get3A_539] : memref<32x8192xf32, #tpu.memory_space<vmem>>, vector<32x128xf32>
    %abs3A_541 = math.absf %get3A_540 : vector<32x128xf32>
    %add3A_542 = arith.constant 4480 : i32
    %add3A_543 = arith.addi %mul3A_2, %add3A_542 : i32
    %add3A_544 = vector.broadcast %add3A_543 : i32 to vector<32x128xi32>
    %add3A_545 = arith.addi %iota3A, %add3A_544 : vector<32x128xi32>
    %gt3A_546 = arith.cmpf ogt, %abs3A_541, %select_n3A_451 : vector<32x128xf32>
    %select_n3A_547 = arith.select %gt3A_546, %abs3A_541, %select_n3A_451 : vector<32x128xi1>, vector<32x128xf32>
    %select_n3A_548 = arith.select %gt3A_546, %add3A_545, %select_n3A_452 : vector<32x128xi1>, vector<32x128xi32>
    %select_n3A_549 = arith.select %gt3A_546, %get3A_540, %select_n3A_453 : vector<32x128xi1>, vector<32x128xf32>
    %get3A_550 = arith.constant 0 : index
    %get3A_551 = arith.constant 4608 : index
    %get3A_552 = vector.load %arg2[%get3A_550, %get3A_551] : memref<32x8192xf32, #tpu.memory_space<vmem>>, vector<32x128xf32>
    %abs3A_553 = math.absf %get3A_552 : vector<32x128xf32>
    %add3A_554 = arith.constant 4608 : i32
    %add3A_555 = arith.addi %mul3A_2, %add3A_554 : i32
    %add3A_556 = vector.broadcast %add3A_555 : i32 to vector<32x128xi32>
    %add3A_557 = arith.addi %iota3A, %add3A_556 : vector<32x128xi32>
    %gt3A_558 = arith.cmpf ogt, %abs3A_553, %select_n3A_463 : vector<32x128xf32>
    %select_n3A_559 = arith.select %gt3A_558, %abs3A_553, %select_n3A_463 : vector<32x128xi1>, vector<32x128xf32>
    %select_n3A_560 = arith.select %gt3A_558, %add3A_557, %select_n3A_464 : vector<32x128xi1>, vector<32x128xi32>
    %select_n3A_561 = arith.select %gt3A_558, %get3A_552, %select_n3A_465 : vector<32x128xi1>, vector<32x128xf32>
    %get3A_562 = arith.constant 0 : index
    %get3A_563 = arith.constant 4736 : index
    %get3A_564 = vector.load %arg2[%get3A_562, %get3A_563] : memref<32x8192xf32, #tpu.memory_space<vmem>>, vector<32x128xf32>
    %abs3A_565 = math.absf %get3A_564 : vector<32x128xf32>
    %add3A_566 = arith.constant 4736 : i32
    %add3A_567 = arith.addi %mul3A_2, %add3A_566 : i32
    %add3A_568 = vector.broadcast %add3A_567 : i32 to vector<32x128xi32>
    %add3A_569 = arith.addi %iota3A, %add3A_568 : vector<32x128xi32>
    %gt3A_570 = arith.cmpf ogt, %abs3A_565, %select_n3A_475 : vector<32x128xf32>
    %select_n3A_571 = arith.select %gt3A_570, %abs3A_565, %select_n3A_475 : vector<32x128xi1>, vector<32x128xf32>
    %select_n3A_572 = arith.select %gt3A_570, %add3A_569, %select_n3A_476 : vector<32x128xi1>, vector<32x128xi32>
    %select_n3A_573 = arith.select %gt3A_570, %get3A_564, %select_n3A_477 : vector<32x128xi1>, vector<32x128xf32>
    %get3A_574 = arith.constant 0 : index
    %get3A_575 = arith.constant 4864 : index
    %get3A_576 = vector.load %arg2[%get3A_574, %get3A_575] : memref<32x8192xf32, #tpu.memory_space<vmem>>, vector<32x128xf32>
    %abs3A_577 = math.absf %get3A_576 : vector<32x128xf32>
    %add3A_578 = arith.constant 4864 : i32
    %add3A_579 = arith.addi %mul3A_2, %add3A_578 : i32
    %add3A_580 = vector.broadcast %add3A_579 : i32 to vector<32x128xi32>
    %add3A_581 = arith.addi %iota3A, %add3A_580 : vector<32x128xi32>
    %gt3A_582 = arith.cmpf ogt, %abs3A_577, %select_n3A_487 : vector<32x128xf32>
    %select_n3A_583 = arith.select %gt3A_582, %abs3A_577, %select_n3A_487 : vector<32x128xi1>, vector<32x128xf32>
    %select_n3A_584 = arith.select %gt3A_582, %add3A_581, %select_n3A_488 : vector<32x128xi1>, vector<32x128xi32>
    %select_n3A_585 = arith.select %gt3A_582, %get3A_576, %select_n3A_489 : vector<32x128xi1>, vector<32x128xf32>
    %get3A_586 = arith.constant 0 : index
    %get3A_587 = arith.constant 4992 : index
    %get3A_588 = vector.load %arg2[%get3A_586, %get3A_587] : memref<32x8192xf32, #tpu.memory_space<vmem>>, vector<32x128xf32>
    %abs3A_589 = math.absf %get3A_588 : vector<32x128xf32>
    %add3A_590 = arith.constant 4992 : i32
    %add3A_591 = arith.addi %mul3A_2, %add3A_590 : i32
    %add3A_592 = vector.broadcast %add3A_591 : i32 to vector<32x128xi32>
    %add3A_593 = arith.addi %iota3A, %add3A_592 : vector<32x128xi32>
    %gt3A_594 = arith.cmpf ogt, %abs3A_589, %select_n3A_499 : vector<32x128xf32>
    %select_n3A_595 = arith.select %gt3A_594, %abs3A_589, %select_n3A_499 : vector<32x128xi1>, vector<32x128xf32>
    %select_n3A_596 = arith.select %gt3A_594, %add3A_593, %select_n3A_500 : vector<32x128xi1>, vector<32x128xi32>
    %select_n3A_597 = arith.select %gt3A_594, %get3A_588, %select_n3A_501 : vector<32x128xi1>, vector<32x128xf32>
    %get3A_598 = arith.constant 0 : index
    %get3A_599 = arith.constant 5120 : index
    %get3A_600 = vector.load %arg2[%get3A_598, %get3A_599] : memref<32x8192xf32, #tpu.memory_space<vmem>>, vector<32x128xf32>
    %abs3A_601 = math.absf %get3A_600 : vector<32x128xf32>
    %add3A_602 = arith.constant 5120 : i32
    %add3A_603 = arith.addi %mul3A_2, %add3A_602 : i32
    %add3A_604 = vector.broadcast %add3A_603 : i32 to vector<32x128xi32>
    %add3A_605 = arith.addi %iota3A, %add3A_604 : vector<32x128xi32>
    %gt3A_606 = arith.cmpf ogt, %abs3A_601, %select_n3A_511 : vector<32x128xf32>
    %select_n3A_607 = arith.select %gt3A_606, %abs3A_601, %select_n3A_511 : vector<32x128xi1>, vector<32x128xf32>
    %select_n3A_608 = arith.select %gt3A_606, %add3A_605, %select_n3A_512 : vector<32x128xi1>, vector<32x128xi32>
    %select_n3A_609 = arith.select %gt3A_606, %get3A_600, %select_n3A_513 : vector<32x128xi1>, vector<32x128xf32>
    %get3A_610 = arith.constant 0 : index
    %get3A_611 = arith.constant 5248 : index
    %get3A_612 = vector.load %arg2[%get3A_610, %get3A_611] : memref<32x8192xf32, #tpu.memory_space<vmem>>, vector<32x128xf32>
    %abs3A_613 = math.absf %get3A_612 : vector<32x128xf32>
    %add3A_614 = arith.constant 5248 : i32
    %add3A_615 = arith.addi %mul3A_2, %add3A_614 : i32
    %add3A_616 = vector.broadcast %add3A_615 : i32 to vector<32x128xi32>
    %add3A_617 = arith.addi %iota3A, %add3A_616 : vector<32x128xi32>
    %gt3A_618 = arith.cmpf ogt, %abs3A_613, %select_n3A_523 : vector<32x128xf32>
    %select_n3A_619 = arith.select %gt3A_618, %abs3A_613, %select_n3A_523 : vector<32x128xi1>, vector<32x128xf32>
    %select_n3A_620 = arith.select %gt3A_618, %add3A_617, %select_n3A_524 : vector<32x128xi1>, vector<32x128xi32>
    %select_n3A_621 = arith.select %gt3A_618, %get3A_612, %select_n3A_525 : vector<32x128xi1>, vector<32x128xf32>
    %get3A_622 = arith.constant 0 : index
    %get3A_623 = arith.constant 5376 : index
    %get3A_624 = vector.load %arg2[%get3A_622, %get3A_623] : memref<32x8192xf32, #tpu.memory_space<vmem>>, vector<32x128xf32>
    %abs3A_625 = math.absf %get3A_624 : vector<32x128xf32>
    %add3A_626 = arith.constant 5376 : i32
    %add3A_627 = arith.addi %mul3A_2, %add3A_626 : i32
    %add3A_628 = vector.broadcast %add3A_627 : i32 to vector<32x128xi32>
    %add3A_629 = arith.addi %iota3A, %add3A_628 : vector<32x128xi32>
    %gt3A_630 = arith.cmpf ogt, %abs3A_625, %select_n3A_535 : vector<32x128xf32>
    %select_n3A_631 = arith.select %gt3A_630, %abs3A_625, %select_n3A_535 : vector<32x128xi1>, vector<32x128xf32>
    %select_n3A_632 = arith.select %gt3A_630, %add3A_629, %select_n3A_536 : vector<32x128xi1>, vector<32x128xi32>
    %select_n3A_633 = arith.select %gt3A_630, %get3A_624, %select_n3A_537 : vector<32x128xi1>, vector<32x128xf32>
    %get3A_634 = arith.constant 0 : index
    %get3A_635 = arith.constant 5504 : index
    %get3A_636 = vector.load %arg2[%get3A_634, %get3A_635] : memref<32x8192xf32, #tpu.memory_space<vmem>>, vector<32x128xf32>
    %abs3A_637 = math.absf %get3A_636 : vector<32x128xf32>
    %add3A_638 = arith.constant 5504 : i32
    %add3A_639 = arith.addi %mul3A_2, %add3A_638 : i32
    %add3A_640 = vector.broadcast %add3A_639 : i32 to vector<32x128xi32>
    %add3A_641 = arith.addi %iota3A, %add3A_640 : vector<32x128xi32>
    %gt3A_642 = arith.cmpf ogt, %abs3A_637, %select_n3A_547 : vector<32x128xf32>
    %select_n3A_643 = arith.select %gt3A_642, %abs3A_637, %select_n3A_547 : vector<32x128xi1>, vector<32x128xf32>
    %select_n3A_644 = arith.select %gt3A_642, %add3A_641, %select_n3A_548 : vector<32x128xi1>, vector<32x128xi32>
    %select_n3A_645 = arith.select %gt3A_642, %get3A_636, %select_n3A_549 : vector<32x128xi1>, vector<32x128xf32>
    %get3A_646 = arith.constant 0 : index
    %get3A_647 = arith.constant 5632 : index
    %get3A_648 = vector.load %arg2[%get3A_646, %get3A_647] : memref<32x8192xf32, #tpu.memory_space<vmem>>, vector<32x128xf32>
    %abs3A_649 = math.absf %get3A_648 : vector<32x128xf32>
    %add3A_650 = arith.constant 5632 : i32
    %add3A_651 = arith.addi %mul3A_2, %add3A_650 : i32
    %add3A_652 = vector.broadcast %add3A_651 : i32 to vector<32x128xi32>
    %add3A_653 = arith.addi %iota3A, %add3A_652 : vector<32x128xi32>
    %gt3A_654 = arith.cmpf ogt, %abs3A_649, %select_n3A_559 : vector<32x128xf32>
    %select_n3A_655 = arith.select %gt3A_654, %abs3A_649, %select_n3A_559 : vector<32x128xi1>, vector<32x128xf32>
    %select_n3A_656 = arith.select %gt3A_654, %add3A_653, %select_n3A_560 : vector<32x128xi1>, vector<32x128xi32>
    %select_n3A_657 = arith.select %gt3A_654, %get3A_648, %select_n3A_561 : vector<32x128xi1>, vector<32x128xf32>
    %get3A_658 = arith.constant 0 : index
    %get3A_659 = arith.constant 5760 : index
    %get3A_660 = vector.load %arg2[%get3A_658, %get3A_659] : memref<32x8192xf32, #tpu.memory_space<vmem>>, vector<32x128xf32>
    %abs3A_661 = math.absf %get3A_660 : vector<32x128xf32>
    %add3A_662 = arith.constant 5760 : i32
    %add3A_663 = arith.addi %mul3A_2, %add3A_662 : i32
    %add3A_664 = vector.broadcast %add3A_663 : i32 to vector<32x128xi32>
    %add3A_665 = arith.addi %iota3A, %add3A_664 : vector<32x128xi32>
    %gt3A_666 = arith.cmpf ogt, %abs3A_661, %select_n3A_571 : vector<32x128xf32>
    %select_n3A_667 = arith.select %gt3A_666, %abs3A_661, %select_n3A_571 : vector<32x128xi1>, vector<32x128xf32>
    %select_n3A_668 = arith.select %gt3A_666, %add3A_665, %select_n3A_572 : vector<32x128xi1>, vector<32x128xi32>
    %select_n3A_669 = arith.select %gt3A_666, %get3A_660, %select_n3A_573 : vector<32x128xi1>, vector<32x128xf32>
    %get3A_670 = arith.constant 0 : index
    %get3A_671 = arith.constant 5888 : index
    %get3A_672 = vector.load %arg2[%get3A_670, %get3A_671] : memref<32x8192xf32, #tpu.memory_space<vmem>>, vector<32x128xf32>
    %abs3A_673 = math.absf %get3A_672 : vector<32x128xf32>
    %add3A_674 = arith.constant 5888 : i32
    %add3A_675 = arith.addi %mul3A_2, %add3A_674 : i32
    %add3A_676 = vector.broadcast %add3A_675 : i32 to vector<32x128xi32>
    %add3A_677 = arith.addi %iota3A, %add3A_676 : vector<32x128xi32>
    %gt3A_678 = arith.cmpf ogt, %abs3A_673, %select_n3A_583 : vector<32x128xf32>
    %select_n3A_679 = arith.select %gt3A_678, %abs3A_673, %select_n3A_583 : vector<32x128xi1>, vector<32x128xf32>
    %select_n3A_680 = arith.select %gt3A_678, %add3A_677, %select_n3A_584 : vector<32x128xi1>, vector<32x128xi32>
    %select_n3A_681 = arith.select %gt3A_678, %get3A_672, %select_n3A_585 : vector<32x128xi1>, vector<32x128xf32>
    %get3A_682 = arith.constant 0 : index
    %get3A_683 = arith.constant 6016 : index
    %get3A_684 = vector.load %arg2[%get3A_682, %get3A_683] : memref<32x8192xf32, #tpu.memory_space<vmem>>, vector<32x128xf32>
    %abs3A_685 = math.absf %get3A_684 : vector<32x128xf32>
    %add3A_686 = arith.constant 6016 : i32
    %add3A_687 = arith.addi %mul3A_2, %add3A_686 : i32
    %add3A_688 = vector.broadcast %add3A_687 : i32 to vector<32x128xi32>
    %add3A_689 = arith.addi %iota3A, %add3A_688 : vector<32x128xi32>
    %gt3A_690 = arith.cmpf ogt, %abs3A_685, %select_n3A_595 : vector<32x128xf32>
    %select_n3A_691 = arith.select %gt3A_690, %abs3A_685, %select_n3A_595 : vector<32x128xi1>, vector<32x128xf32>
    %select_n3A_692 = arith.select %gt3A_690, %add3A_689, %select_n3A_596 : vector<32x128xi1>, vector<32x128xi32>
    %select_n3A_693 = arith.select %gt3A_690, %get3A_684, %select_n3A_597 : vector<32x128xi1>, vector<32x128xf32>
    %get3A_694 = arith.constant 0 : index
    %get3A_695 = arith.constant 6144 : index
    %get3A_696 = vector.load %arg2[%get3A_694, %get3A_695] : memref<32x8192xf32, #tpu.memory_space<vmem>>, vector<32x128xf32>
    %abs3A_697 = math.absf %get3A_696 : vector<32x128xf32>
    %add3A_698 = arith.constant 6144 : i32
    %add3A_699 = arith.addi %mul3A_2, %add3A_698 : i32
    %add3A_700 = vector.broadcast %add3A_699 : i32 to vector<32x128xi32>
    %add3A_701 = arith.addi %iota3A, %add3A_700 : vector<32x128xi32>
    %gt3A_702 = arith.cmpf ogt, %abs3A_697, %select_n3A_607 : vector<32x128xf32>
    %select_n3A_703 = arith.select %gt3A_702, %abs3A_697, %select_n3A_607 : vector<32x128xi1>, vector<32x128xf32>
    %select_n3A_704 = arith.select %gt3A_702, %add3A_701, %select_n3A_608 : vector<32x128xi1>, vector<32x128xi32>
    %select_n3A_705 = arith.select %gt3A_702, %get3A_696, %select_n3A_609 : vector<32x128xi1>, vector<32x128xf32>
    %get3A_706 = arith.constant 0 : index
    %get3A_707 = arith.constant 6272 : index
    %get3A_708 = vector.load %arg2[%get3A_706, %get3A_707] : memref<32x8192xf32, #tpu.memory_space<vmem>>, vector<32x128xf32>
    %abs3A_709 = math.absf %get3A_708 : vector<32x128xf32>
    %add3A_710 = arith.constant 6272 : i32
    %add3A_711 = arith.addi %mul3A_2, %add3A_710 : i32
    %add3A_712 = vector.broadcast %add3A_711 : i32 to vector<32x128xi32>
    %add3A_713 = arith.addi %iota3A, %add3A_712 : vector<32x128xi32>
    %gt3A_714 = arith.cmpf ogt, %abs3A_709, %select_n3A_619 : vector<32x128xf32>
    %select_n3A_715 = arith.select %gt3A_714, %abs3A_709, %select_n3A_619 : vector<32x128xi1>, vector<32x128xf32>
    %select_n3A_716 = arith.select %gt3A_714, %add3A_713, %select_n3A_620 : vector<32x128xi1>, vector<32x128xi32>
    %select_n3A_717 = arith.select %gt3A_714, %get3A_708, %select_n3A_621 : vector<32x128xi1>, vector<32x128xf32>
    %get3A_718 = arith.constant 0 : index
    %get3A_719 = arith.constant 6400 : index
    %get3A_720 = vector.load %arg2[%get3A_718, %get3A_719] : memref<32x8192xf32, #tpu.memory_space<vmem>>, vector<32x128xf32>
    %abs3A_721 = math.absf %get3A_720 : vector<32x128xf32>
    %add3A_722 = arith.constant 6400 : i32
    %add3A_723 = arith.addi %mul3A_2, %add3A_722 : i32
    %add3A_724 = vector.broadcast %add3A_723 : i32 to vector<32x128xi32>
    %add3A_725 = arith.addi %iota3A, %add3A_724 : vector<32x128xi32>
    %gt3A_726 = arith.cmpf ogt, %abs3A_721, %select_n3A_631 : vector<32x128xf32>
    %select_n3A_727 = arith.select %gt3A_726, %abs3A_721, %select_n3A_631 : vector<32x128xi1>, vector<32x128xf32>
    %select_n3A_728 = arith.select %gt3A_726, %add3A_725, %select_n3A_632 : vector<32x128xi1>, vector<32x128xi32>
    %select_n3A_729 = arith.select %gt3A_726, %get3A_720, %select_n3A_633 : vector<32x128xi1>, vector<32x128xf32>
    %get3A_730 = arith.constant 0 : index
    %get3A_731 = arith.constant 6528 : index
    %get3A_732 = vector.load %arg2[%get3A_730, %get3A_731] : memref<32x8192xf32, #tpu.memory_space<vmem>>, vector<32x128xf32>
    %abs3A_733 = math.absf %get3A_732 : vector<32x128xf32>
    %add3A_734 = arith.constant 6528 : i32
    %add3A_735 = arith.addi %mul3A_2, %add3A_734 : i32
    %add3A_736 = vector.broadcast %add3A_735 : i32 to vector<32x128xi32>
    %add3A_737 = arith.addi %iota3A, %add3A_736 : vector<32x128xi32>
    %gt3A_738 = arith.cmpf ogt, %abs3A_733, %select_n3A_643 : vector<32x128xf32>
    %select_n3A_739 = arith.select %gt3A_738, %abs3A_733, %select_n3A_643 : vector<32x128xi1>, vector<32x128xf32>
    %select_n3A_740 = arith.select %gt3A_738, %add3A_737, %select_n3A_644 : vector<32x128xi1>, vector<32x128xi32>
    %select_n3A_741 = arith.select %gt3A_738, %get3A_732, %select_n3A_645 : vector<32x128xi1>, vector<32x128xf32>
    %get3A_742 = arith.constant 0 : index
    %get3A_743 = arith.constant 6656 : index
    %get3A_744 = vector.load %arg2[%get3A_742, %get3A_743] : memref<32x8192xf32, #tpu.memory_space<vmem>>, vector<32x128xf32>
    %abs3A_745 = math.absf %get3A_744 : vector<32x128xf32>
    %add3A_746 = arith.constant 6656 : i32
    %add3A_747 = arith.addi %mul3A_2, %add3A_746 : i32
    %add3A_748 = vector.broadcast %add3A_747 : i32 to vector<32x128xi32>
    %add3A_749 = arith.addi %iota3A, %add3A_748 : vector<32x128xi32>
    %gt3A_750 = arith.cmpf ogt, %abs3A_745, %select_n3A_655 : vector<32x128xf32>
    %select_n3A_751 = arith.select %gt3A_750, %abs3A_745, %select_n3A_655 : vector<32x128xi1>, vector<32x128xf32>
    %select_n3A_752 = arith.select %gt3A_750, %add3A_749, %select_n3A_656 : vector<32x128xi1>, vector<32x128xi32>
    %select_n3A_753 = arith.select %gt3A_750, %get3A_744, %select_n3A_657 : vector<32x128xi1>, vector<32x128xf32>
    %get3A_754 = arith.constant 0 : index
    %get3A_755 = arith.constant 6784 : index
    %get3A_756 = vector.load %arg2[%get3A_754, %get3A_755] : memref<32x8192xf32, #tpu.memory_space<vmem>>, vector<32x128xf32>
    %abs3A_757 = math.absf %get3A_756 : vector<32x128xf32>
    %add3A_758 = arith.constant 6784 : i32
    %add3A_759 = arith.addi %mul3A_2, %add3A_758 : i32
    %add3A_760 = vector.broadcast %add3A_759 : i32 to vector<32x128xi32>
    %add3A_761 = arith.addi %iota3A, %add3A_760 : vector<32x128xi32>
    %gt3A_762 = arith.cmpf ogt, %abs3A_757, %select_n3A_667 : vector<32x128xf32>
    %select_n3A_763 = arith.select %gt3A_762, %abs3A_757, %select_n3A_667 : vector<32x128xi1>, vector<32x128xf32>
    %select_n3A_764 = arith.select %gt3A_762, %add3A_761, %select_n3A_668 : vector<32x128xi1>, vector<32x128xi32>
    %select_n3A_765 = arith.select %gt3A_762, %get3A_756, %select_n3A_669 : vector<32x128xi1>, vector<32x128xf32>
    %get3A_766 = arith.constant 0 : index
    %get3A_767 = arith.constant 6912 : index
    %get3A_768 = vector.load %arg2[%get3A_766, %get3A_767] : memref<32x8192xf32, #tpu.memory_space<vmem>>, vector<32x128xf32>
    %abs3A_769 = math.absf %get3A_768 : vector<32x128xf32>
    %add3A_770 = arith.constant 6912 : i32
    %add3A_771 = arith.addi %mul3A_2, %add3A_770 : i32
    %add3A_772 = vector.broadcast %add3A_771 : i32 to vector<32x128xi32>
    %add3A_773 = arith.addi %iota3A, %add3A_772 : vector<32x128xi32>
    %gt3A_774 = arith.cmpf ogt, %abs3A_769, %select_n3A_679 : vector<32x128xf32>
    %select_n3A_775 = arith.select %gt3A_774, %abs3A_769, %select_n3A_679 : vector<32x128xi1>, vector<32x128xf32>
    %select_n3A_776 = arith.select %gt3A_774, %add3A_773, %select_n3A_680 : vector<32x128xi1>, vector<32x128xi32>
    %select_n3A_777 = arith.select %gt3A_774, %get3A_768, %select_n3A_681 : vector<32x128xi1>, vector<32x128xf32>
    %get3A_778 = arith.constant 0 : index
    %get3A_779 = arith.constant 7040 : index
    %get3A_780 = vector.load %arg2[%get3A_778, %get3A_779] : memref<32x8192xf32, #tpu.memory_space<vmem>>, vector<32x128xf32>
    %abs3A_781 = math.absf %get3A_780 : vector<32x128xf32>
    %add3A_782 = arith.constant 7040 : i32
    %add3A_783 = arith.addi %mul3A_2, %add3A_782 : i32
    %add3A_784 = vector.broadcast %add3A_783 : i32 to vector<32x128xi32>
    %add3A_785 = arith.addi %iota3A, %add3A_784 : vector<32x128xi32>
    %gt3A_786 = arith.cmpf ogt, %abs3A_781, %select_n3A_691 : vector<32x128xf32>
    %select_n3A_787 = arith.select %gt3A_786, %abs3A_781, %select_n3A_691 : vector<32x128xi1>, vector<32x128xf32>
    %select_n3A_788 = arith.select %gt3A_786, %add3A_785, %select_n3A_692 : vector<32x128xi1>, vector<32x128xi32>
    %select_n3A_789 = arith.select %gt3A_786, %get3A_780, %select_n3A_693 : vector<32x128xi1>, vector<32x128xf32>
    %get3A_790 = arith.constant 0 : index
    %get3A_791 = arith.constant 7168 : index
    %get3A_792 = vector.load %arg2[%get3A_790, %get3A_791] : memref<32x8192xf32, #tpu.memory_space<vmem>>, vector<32x128xf32>
    %abs3A_793 = math.absf %get3A_792 : vector<32x128xf32>
    %add3A_794 = arith.constant 7168 : i32
    %add3A_795 = arith.addi %mul3A_2, %add3A_794 : i32
    %add3A_796 = vector.broadcast %add3A_795 : i32 to vector<32x128xi32>
    %add3A_797 = arith.addi %iota3A, %add3A_796 : vector<32x128xi32>
    %gt3A_798 = arith.cmpf ogt, %abs3A_793, %select_n3A_703 : vector<32x128xf32>
    %select_n3A_799 = arith.select %gt3A_798, %abs3A_793, %select_n3A_703 : vector<32x128xi1>, vector<32x128xf32>
    %select_n3A_800 = arith.select %gt3A_798, %add3A_797, %select_n3A_704 : vector<32x128xi1>, vector<32x128xi32>
    %select_n3A_801 = arith.select %gt3A_798, %get3A_792, %select_n3A_705 : vector<32x128xi1>, vector<32x128xf32>
    %get3A_802 = arith.constant 0 : index
    %get3A_803 = arith.constant 7296 : index
    %get3A_804 = vector.load %arg2[%get3A_802, %get3A_803] : memref<32x8192xf32, #tpu.memory_space<vmem>>, vector<32x128xf32>
    %abs3A_805 = math.absf %get3A_804 : vector<32x128xf32>
    %add3A_806 = arith.constant 7296 : i32
    %add3A_807 = arith.addi %mul3A_2, %add3A_806 : i32
    %add3A_808 = vector.broadcast %add3A_807 : i32 to vector<32x128xi32>
    %add3A_809 = arith.addi %iota3A, %add3A_808 : vector<32x128xi32>
    %gt3A_810 = arith.cmpf ogt, %abs3A_805, %select_n3A_715 : vector<32x128xf32>
    %select_n3A_811 = arith.select %gt3A_810, %abs3A_805, %select_n3A_715 : vector<32x128xi1>, vector<32x128xf32>
    %select_n3A_812 = arith.select %gt3A_810, %add3A_809, %select_n3A_716 : vector<32x128xi1>, vector<32x128xi32>
    %select_n3A_813 = arith.select %gt3A_810, %get3A_804, %select_n3A_717 : vector<32x128xi1>, vector<32x128xf32>
    %get3A_814 = arith.constant 0 : index
    %get3A_815 = arith.constant 7424 : index
    %get3A_816 = vector.load %arg2[%get3A_814, %get3A_815] : memref<32x8192xf32, #tpu.memory_space<vmem>>, vector<32x128xf32>
    %abs3A_817 = math.absf %get3A_816 : vector<32x128xf32>
    %add3A_818 = arith.constant 7424 : i32
    %add3A_819 = arith.addi %mul3A_2, %add3A_818 : i32
    %add3A_820 = vector.broadcast %add3A_819 : i32 to vector<32x128xi32>
    %add3A_821 = arith.addi %iota3A, %add3A_820 : vector<32x128xi32>
    %gt3A_822 = arith.cmpf ogt, %abs3A_817, %select_n3A_727 : vector<32x128xf32>
    %select_n3A_823 = arith.select %gt3A_822, %abs3A_817, %select_n3A_727 : vector<32x128xi1>, vector<32x128xf32>
    %select_n3A_824 = arith.select %gt3A_822, %add3A_821, %select_n3A_728 : vector<32x128xi1>, vector<32x128xi32>
    %select_n3A_825 = arith.select %gt3A_822, %get3A_816, %select_n3A_729 : vector<32x128xi1>, vector<32x128xf32>
    %get3A_826 = arith.constant 0 : index
    %get3A_827 = arith.constant 7552 : index
    %get3A_828 = vector.load %arg2[%get3A_826, %get3A_827] : memref<32x8192xf32, #tpu.memory_space<vmem>>, vector<32x128xf32>
    %abs3A_829 = math.absf %get3A_828 : vector<32x128xf32>
    %add3A_830 = arith.constant 7552 : i32
    %add3A_831 = arith.addi %mul3A_2, %add3A_830 : i32
    %add3A_832 = vector.broadcast %add3A_831 : i32 to vector<32x128xi32>
    %add3A_833 = arith.addi %iota3A, %add3A_832 : vector<32x128xi32>
    %gt3A_834 = arith.cmpf ogt, %abs3A_829, %select_n3A_739 : vector<32x128xf32>
    %select_n3A_835 = arith.select %gt3A_834, %abs3A_829, %select_n3A_739 : vector<32x128xi1>, vector<32x128xf32>
    %select_n3A_836 = arith.select %gt3A_834, %add3A_833, %select_n3A_740 : vector<32x128xi1>, vector<32x128xi32>
    %select_n3A_837 = arith.select %gt3A_834, %get3A_828, %select_n3A_741 : vector<32x128xi1>, vector<32x128xf32>
    %get3A_838 = arith.constant 0 : index
    %get3A_839 = arith.constant 7680 : index
    %get3A_840 = vector.load %arg2[%get3A_838, %get3A_839] : memref<32x8192xf32, #tpu.memory_space<vmem>>, vector<32x128xf32>
    %abs3A_841 = math.absf %get3A_840 : vector<32x128xf32>
    %add3A_842 = arith.constant 7680 : i32
    %add3A_843 = arith.addi %mul3A_2, %add3A_842 : i32
    %add3A_844 = vector.broadcast %add3A_843 : i32 to vector<32x128xi32>
    %add3A_845 = arith.addi %iota3A, %add3A_844 : vector<32x128xi32>
    %gt3A_846 = arith.cmpf ogt, %abs3A_841, %select_n3A_751 : vector<32x128xf32>
    %select_n3A_847 = arith.select %gt3A_846, %abs3A_841, %select_n3A_751 : vector<32x128xi1>, vector<32x128xf32>
    %select_n3A_848 = arith.select %gt3A_846, %add3A_845, %select_n3A_752 : vector<32x128xi1>, vector<32x128xi32>
    %select_n3A_849 = arith.select %gt3A_846, %get3A_840, %select_n3A_753 : vector<32x128xi1>, vector<32x128xf32>
    %get3A_850 = arith.constant 0 : index
    %get3A_851 = arith.constant 7808 : index
    %get3A_852 = vector.load %arg2[%get3A_850, %get3A_851] : memref<32x8192xf32, #tpu.memory_space<vmem>>, vector<32x128xf32>
    %abs3A_853 = math.absf %get3A_852 : vector<32x128xf32>
    %add3A_854 = arith.constant 7808 : i32
    %add3A_855 = arith.addi %mul3A_2, %add3A_854 : i32
    %add3A_856 = vector.broadcast %add3A_855 : i32 to vector<32x128xi32>
    %add3A_857 = arith.addi %iota3A, %add3A_856 : vector<32x128xi32>
    %gt3A_858 = arith.cmpf ogt, %abs3A_853, %select_n3A_763 : vector<32x128xf32>
    %select_n3A_859 = arith.select %gt3A_858, %abs3A_853, %select_n3A_763 : vector<32x128xi1>, vector<32x128xf32>
    %select_n3A_860 = arith.select %gt3A_858, %add3A_857, %select_n3A_764 : vector<32x128xi1>, vector<32x128xi32>
    %select_n3A_861 = arith.select %gt3A_858, %get3A_852, %select_n3A_765 : vector<32x128xi1>, vector<32x128xf32>
    %get3A_862 = arith.constant 0 : index
    %get3A_863 = arith.constant 7936 : index
    %get3A_864 = vector.load %arg2[%get3A_862, %get3A_863] : memref<32x8192xf32, #tpu.memory_space<vmem>>, vector<32x128xf32>
    %abs3A_865 = math.absf %get3A_864 : vector<32x128xf32>
    %add3A_866 = arith.constant 7936 : i32
    %add3A_867 = arith.addi %mul3A_2, %add3A_866 : i32
    %add3A_868 = vector.broadcast %add3A_867 : i32 to vector<32x128xi32>
    %add3A_869 = arith.addi %iota3A, %add3A_868 : vector<32x128xi32>
    %gt3A_870 = arith.cmpf ogt, %abs3A_865, %select_n3A_775 : vector<32x128xf32>
    %select_n3A_871 = arith.select %gt3A_870, %abs3A_865, %select_n3A_775 : vector<32x128xi1>, vector<32x128xf32>
    %select_n3A_872 = arith.select %gt3A_870, %add3A_869, %select_n3A_776 : vector<32x128xi1>, vector<32x128xi32>
    %select_n3A_873 = arith.select %gt3A_870, %get3A_864, %select_n3A_777 : vector<32x128xi1>, vector<32x128xf32>
    %get3A_874 = arith.constant 0 : index
    %get3A_875 = arith.constant 8064 : index
    %get3A_876 = vector.load %arg2[%get3A_874, %get3A_875] : memref<32x8192xf32, #tpu.memory_space<vmem>>, vector<32x128xf32>
    %abs3A_877 = math.absf %get3A_876 : vector<32x128xf32>
    %add3A_878 = arith.constant 8064 : i32
    %add3A_879 = arith.addi %mul3A_2, %add3A_878 : i32
    %add3A_880 = vector.broadcast %add3A_879 : i32 to vector<32x128xi32>
    %add3A_881 = arith.addi %iota3A, %add3A_880 : vector<32x128xi32>
    %gt3A_882 = arith.cmpf ogt, %abs3A_877, %select_n3A_787 : vector<32x128xf32>
    %select_n3A_883 = arith.select %gt3A_882, %abs3A_877, %select_n3A_787 : vector<32x128xi1>, vector<32x128xf32>
    %select_n3A_884 = arith.select %gt3A_882, %add3A_881, %select_n3A_788 : vector<32x128xi1>, vector<32x128xi32>
    %select_n3A_885 = arith.select %gt3A_882, %get3A_876, %select_n3A_789 : vector<32x128xi1>, vector<32x128xf32>
    %swap3A = arith.constant 0 : index
    %swap3A_886 = arith.constant 0 : index
    %swap3A_887 = arith.constant 0 : index
    %swap3A_888 = vector.load %arg4[%swap3A, %swap3A_886, %swap3A_887] : memref<8x32x128xf32, #tpu.memory_space<vmem>>, vector<1x32x128xf32>
    %swap3A_889 = vector.shape_cast %swap3A_888 : vector<1x32x128xf32> to vector<32x128xf32>
    %swap3A_890 = vector.shape_cast %select_n3A_799 : vector<32x128xf32> to vector<1x32x128xf32>
    tpu.vector_store %arg4[%swap3A, %swap3A_886, %swap3A_887], %swap3A_890 {strides = array<i32>} : memref<8x32x128xf32, #tpu.memory_space<vmem>>, vector<1x32x128xf32>,
    %swap3A_891 = arith.constant 0 : index
    %swap3A_892 = arith.constant 0 : index
    %swap3A_893 = arith.constant 0 : index
    %swap3A_894 = vector.load %arg5[%swap3A_891, %swap3A_892, %swap3A_893] : memref<8x32x128xi32, #tpu.memory_space<vmem>>, vector<1x32x128xi32>
    %swap3A_895 = vector.shape_cast %swap3A_894 : vector<1x32x128xi32> to vector<32x128xi32>
    %swap3A_896 = vector.shape_cast %select_n3A_800 : vector<32x128xi32> to vector<1x32x128xi32>
    tpu.vector_store %arg5[%swap3A_891, %swap3A_892, %swap3A_893], %swap3A_896 {strides = array<i32>} : memref<8x32x128xi32, #tpu.memory_space<vmem>>, vector<1x32x128xi32>,
    %swap3A_897 = arith.constant 0 : index
    %swap3A_898 = arith.constant 0 : index
    %swap3A_899 = arith.constant 0 : index
    %swap3A_900 = vector.load %arg6[%swap3A_897, %swap3A_898, %swap3A_899] : memref<8x32x128xf32, #tpu.memory_space<vmem>>, vector<1x32x128xf32>
    %swap3A_901 = vector.shape_cast %swap3A_900 : vector<1x32x128xf32> to vector<32x128xf32>
    %swap3A_902 = vector.shape_cast %select_n3A_801 : vector<32x128xf32> to vector<1x32x128xf32>
    tpu.vector_store %arg6[%swap3A_897, %swap3A_898, %swap3A_899], %swap3A_902 {strides = array<i32>} : memref<8x32x128xf32, #tpu.memory_space<vmem>>, vector<1x32x128xf32>,
    %swap3A_903 = arith.constant 1 : index
    %swap3A_904 = arith.constant 0 : index
    %swap3A_905 = arith.constant 0 : index
    %swap3A_906 = vector.load %arg4[%swap3A_903, %swap3A_904, %swap3A_905] : memref<8x32x128xf32, #tpu.memory_space<vmem>>, vector<1x32x128xf32>
    %swap3A_907 = vector.shape_cast %swap3A_906 : vector<1x32x128xf32> to vector<32x128xf32>
    %swap3A_908 = vector.shape_cast %select_n3A_811 : vector<32x128xf32> to vector<1x32x128xf32>
    tpu.vector_store %arg4[%swap3A_903, %swap3A_904, %swap3A_905], %swap3A_908 {strides = array<i32>} : memref<8x32x128xf32, #tpu.memory_space<vmem>>, vector<1x32x128xf32>,
    %swap3A_909 = arith.constant 1 : index
    %swap3A_910 = arith.constant 0 : index
    %swap3A_911 = arith.constant 0 : index
    %swap3A_912 = vector.load %arg5[%swap3A_909, %swap3A_910, %swap3A_911] : memref<8x32x128xi32, #tpu.memory_space<vmem>>, vector<1x32x128xi32>
    %swap3A_913 = vector.shape_cast %swap3A_912 : vector<1x32x128xi32> to vector<32x128xi32>
    %swap3A_914 = vector.shape_cast %select_n3A_812 : vector<32x128xi32> to vector<1x32x128xi32>
    tpu.vector_store %arg5[%swap3A_909, %swap3A_910, %swap3A_911], %swap3A_914 {strides = array<i32>} : memref<8x32x128xi32, #tpu.memory_space<vmem>>, vector<1x32x128xi32>,
    %swap3A_915 = arith.constant 1 : index
    %swap3A_916 = arith.constant 0 : index
    %swap3A_917 = arith.constant 0 : index
    %swap3A_918 = vector.load %arg6[%swap3A_915, %swap3A_916, %swap3A_917] : memref<8x32x128xf32, #tpu.memory_space<vmem>>, vector<1x32x128xf32>
    %swap3A_919 = vector.shape_cast %swap3A_918 : vector<1x32x128xf32> to vector<32x128xf32>
    %swap3A_920 = vector.shape_cast %select_n3A_813 : vector<32x128xf32> to vector<1x32x128xf32>
    tpu.vector_store %arg6[%swap3A_915, %swap3A_916, %swap3A_917], %swap3A_920 {strides = array<i32>} : memref<8x32x128xf32, #tpu.memory_space<vmem>>, vector<1x32x128xf32>,
    %swap3A_921 = arith.constant 2 : index
    %swap3A_922 = arith.constant 0 : index
    %swap3A_923 = arith.constant 0 : index
    %swap3A_924 = vector.load %arg4[%swap3A_921, %swap3A_922, %swap3A_923] : memref<8x32x128xf32, #tpu.memory_space<vmem>>, vector<1x32x128xf32>
    %swap3A_925 = vector.shape_cast %swap3A_924 : vector<1x32x128xf32> to vector<32x128xf32>
    %swap3A_926 = vector.shape_cast %select_n3A_823 : vector<32x128xf32> to vector<1x32x128xf32>
    tpu.vector_store %arg4[%swap3A_921, %swap3A_922, %swap3A_923], %swap3A_926 {strides = array<i32>} : memref<8x32x128xf32, #tpu.memory_space<vmem>>, vector<1x32x128xf32>,
    %swap3A_927 = arith.constant 2 : index
    %swap3A_928 = arith.constant 0 : index
    %swap3A_929 = arith.constant 0 : index
    %swap3A_930 = vector.load %arg5[%swap3A_927, %swap3A_928, %swap3A_929] : memref<8x32x128xi32, #tpu.memory_space<vmem>>, vector<1x32x128xi32>
    %swap3A_931 = vector.shape_cast %swap3A_930 : vector<1x32x128xi32> to vector<32x128xi32>
    %swap3A_932 = vector.shape_cast %select_n3A_824 : vector<32x128xi32> to vector<1x32x128xi32>
    tpu.vector_store %arg5[%swap3A_927, %swap3A_928, %swap3A_929], %swap3A_932 {strides = array<i32>} : memref<8x32x128xi32, #tpu.memory_space<vmem>>, vector<1x32x128xi32>,
    %swap3A_933 = arith.constant 2 : index
    %swap3A_934 = arith.constant 0 : index
    %swap3A_935 = arith.constant 0 : index
    %swap3A_936 = vector.load %arg6[%swap3A_933, %swap3A_934, %swap3A_935] : memref<8x32x128xf32, #tpu.memory_space<vmem>>, vector<1x32x128xf32>
    %swap3A_937 = vector.shape_cast %swap3A_936 : vector<1x32x128xf32> to vector<32x128xf32>
    %swap3A_938 = vector.shape_cast %select_n3A_825 : vector<32x128xf32> to vector<1x32x128xf32>
    tpu.vector_store %arg6[%swap3A_933, %swap3A_934, %swap3A_935], %swap3A_938 {strides = array<i32>} : memref<8x32x128xf32, #tpu.memory_space<vmem>>, vector<1x32x128xf32>,
    %swap3A_939 = arith.constant 3 : index
    %swap3A_940 = arith.constant 0 : index
    %swap3A_941 = arith.constant 0 : index
    %swap3A_942 = vector.load %arg4[%swap3A_939, %swap3A_940, %swap3A_941] : memref<8x32x128xf32, #tpu.memory_space<vmem>>, vector<1x32x128xf32>
    %swap3A_943 = vector.shape_cast %swap3A_942 : vector<1x32x128xf32> to vector<32x128xf32>
    %swap3A_944 = vector.shape_cast %select_n3A_835 : vector<32x128xf32> to vector<1x32x128xf32>
    tpu.vector_store %arg4[%swap3A_939, %swap3A_940, %swap3A_941], %swap3A_944 {strides = array<i32>} : memref<8x32x128xf32, #tpu.memory_space<vmem>>, vector<1x32x128xf32>,
    %swap3A_945 = arith.constant 3 : index
    %swap3A_946 = arith.constant 0 : index
    %swap3A_947 = arith.constant 0 : index
    %swap3A_948 = vector.load %arg5[%swap3A_945, %swap3A_946, %swap3A_947] : memref<8x32x128xi32, #tpu.memory_space<vmem>>, vector<1x32x128xi32>
    %swap3A_949 = vector.shape_cast %swap3A_948 : vector<1x32x128xi32> to vector<32x128xi32>
    %swap3A_950 = vector.shape_cast %select_n3A_836 : vector<32x128xi32> to vector<1x32x128xi32>
    tpu.vector_store %arg5[%swap3A_945, %swap3A_946, %swap3A_947], %swap3A_950 {strides = array<i32>} : memref<8x32x128xi32, #tpu.memory_space<vmem>>, vector<1x32x128xi32>,
    %swap3A_951 = arith.constant 3 : index
    %swap3A_952 = arith.constant 0 : index
    %swap3A_953 = arith.constant 0 : index
    %swap3A_954 = vector.load %arg6[%swap3A_951, %swap3A_952, %swap3A_953] : memref<8x32x128xf32, #tpu.memory_space<vmem>>, vector<1x32x128xf32>
    %swap3A_955 = vector.shape_cast %swap3A_954 : vector<1x32x128xf32> to vector<32x128xf32>
    %swap3A_956 = vector.shape_cast %select_n3A_837 : vector<32x128xf32> to vector<1x32x128xf32>
    tpu.vector_store %arg6[%swap3A_951, %swap3A_952, %swap3A_953], %swap3A_956 {strides = array<i32>} : memref<8x32x128xf32, #tpu.memory_space<vmem>>, vector<1x32x128xf32>,
    %swap3A_957 = arith.constant 4 : index
    %swap3A_958 = arith.constant 0 : index
    %swap3A_959 = arith.constant 0 : index
    %swap3A_960 = vector.load %arg4[%swap3A_957, %swap3A_958, %swap3A_959] : memref<8x32x128xf32, #tpu.memory_space<vmem>>, vector<1x32x128xf32>
    %swap3A_961 = vector.shape_cast %swap3A_960 : vector<1x32x128xf32> to vector<32x128xf32>
    %swap3A_962 = vector.shape_cast %select_n3A_847 : vector<32x128xf32> to vector<1x32x128xf32>
    tpu.vector_store %arg4[%swap3A_957, %swap3A_958, %swap3A_959], %swap3A_962 {strides = array<i32>} : memref<8x32x128xf32, #tpu.memory_space<vmem>>, vector<1x32x128xf32>,
    %swap3A_963 = arith.constant 4 : index
    %swap3A_964 = arith.constant 0 : index
    %swap3A_965 = arith.constant 0 : index
    %swap3A_966 = vector.load %arg5[%swap3A_963, %swap3A_964, %swap3A_965] : memref<8x32x128xi32, #tpu.memory_space<vmem>>, vector<1x32x128xi32>
    %swap3A_967 = vector.shape_cast %swap3A_966 : vector<1x32x128xi32> to vector<32x128xi32>
    %swap3A_968 = vector.shape_cast %select_n3A_848 : vector<32x128xi32> to vector<1x32x128xi32>
    tpu.vector_store %arg5[%swap3A_963, %swap3A_964, %swap3A_965], %swap3A_968 {strides = array<i32>} : memref<8x32x128xi32, #tpu.memory_space<vmem>>, vector<1x32x128xi32>,
    %swap3A_969 = arith.constant 4 : index
    %swap3A_970 = arith.constant 0 : index
    %swap3A_971 = arith.constant 0 : index
    %swap3A_972 = vector.load %arg6[%swap3A_969, %swap3A_970, %swap3A_971] : memref<8x32x128xf32, #tpu.memory_space<vmem>>, vector<1x32x128xf32>
    %swap3A_973 = vector.shape_cast %swap3A_972 : vector<1x32x128xf32> to vector<32x128xf32>
    %swap3A_974 = vector.shape_cast %select_n3A_849 : vector<32x128xf32> to vector<1x32x128xf32>
    tpu.vector_store %arg6[%swap3A_969, %swap3A_970, %swap3A_971], %swap3A_974 {strides = array<i32>} : memref<8x32x128xf32, #tpu.memory_space<vmem>>, vector<1x32x128xf32>,
    %swap3A_975 = arith.constant 5 : index
    %swap3A_976 = arith.constant 0 : index
    %swap3A_977 = arith.constant 0 : index
    %swap3A_978 = vector.load %arg4[%swap3A_975, %swap3A_976, %swap3A_977] : memref<8x32x128xf32, #tpu.memory_space<vmem>>, vector<1x32x128xf32>
    %swap3A_979 = vector.shape_cast %swap3A_978 : vector<1x32x128xf32> to vector<32x128xf32>
    %swap3A_980 = vector.shape_cast %select_n3A_859 : vector<32x128xf32> to vector<1x32x128xf32>
    tpu.vector_store %arg4[%swap3A_975, %swap3A_976, %swap3A_977], %swap3A_980 {strides = array<i32>} : memref<8x32x128xf32, #tpu.memory_space<vmem>>, vector<1x32x128xf32>,
    %swap3A_981 = arith.constant 5 : index
    %swap3A_982 = arith.constant 0 : index
    %swap3A_983 = arith.constant 0 : index
    %swap3A_984 = vector.load %arg5[%swap3A_981, %swap3A_982, %swap3A_983] : memref<8x32x128xi32, #tpu.memory_space<vmem>>, vector<1x32x128xi32>
    %swap3A_985 = vector.shape_cast %swap3A_984 : vector<1x32x128xi32> to vector<32x128xi32>
    %swap3A_986 = vector.shape_cast %select_n3A_860 : vector<32x128xi32> to vector<1x32x128xi32>
    tpu.vector_store %arg5[%swap3A_981, %swap3A_982, %swap3A_983], %swap3A_986 {strides = array<i32>} : memref<8x32x128xi32, #tpu.memory_space<vmem>>, vector<1x32x128xi32>,
    %swap3A_987 = arith.constant 5 : index
    %swap3A_988 = arith.constant 0 : index
    %swap3A_989 = arith.constant 0 : index
    %swap3A_990 = vector.load %arg6[%swap3A_987, %swap3A_988, %swap3A_989] : memref<8x32x128xf32, #tpu.memory_space<vmem>>, vector<1x32x128xf32>
    %swap3A_991 = vector.shape_cast %swap3A_990 : vector<1x32x128xf32> to vector<32x128xf32>
    %swap3A_992 = vector.shape_cast %select_n3A_861 : vector<32x128xf32> to vector<1x32x128xf32>
    tpu.vector_store %arg6[%swap3A_987, %swap3A_988, %swap3A_989], %swap3A_992 {strides = array<i32>} : memref<8x32x128xf32, #tpu.memory_space<vmem>>, vector<1x32x128xf32>,
    %swap3A_993 = arith.constant 6 : index
    %swap3A_994 = arith.constant 0 : index
    %swap3A_995 = arith.constant 0 : index
    %swap3A_996 = vector.load %arg4[%swap3A_993, %swap3A_994, %swap3A_995] : memref<8x32x128xf32, #tpu.memory_space<vmem>>, vector<1x32x128xf32>
    %swap3A_997 = vector.shape_cast %swap3A_996 : vector<1x32x128xf32> to vector<32x128xf32>
    %swap3A_998 = vector.shape_cast %select_n3A_871 : vector<32x128xf32> to vector<1x32x128xf32>
    tpu.vector_store %arg4[%swap3A_993, %swap3A_994, %swap3A_995], %swap3A_998 {strides = array<i32>} : memref<8x32x128xf32, #tpu.memory_space<vmem>>, vector<1x32x128xf32>,
    %swap3A_999 = arith.constant 6 : index
    %swap3A_1000 = arith.constant 0 : index
    %swap3A_1001 = arith.constant 0 : index
    %swap3A_1002 = vector.load %arg5[%swap3A_999, %swap3A_1000, %swap3A_1001] : memref<8x32x128xi32, #tpu.memory_space<vmem>>, vector<1x32x128xi32>
    %swap3A_1003 = vector.shape_cast %swap3A_1002 : vector<1x32x128xi32> to vector<32x128xi32>
    %swap3A_1004 = vector.shape_cast %select_n3A_872 : vector<32x128xi32> to vector<1x32x128xi32>
    tpu.vector_store %arg5[%swap3A_999, %swap3A_1000, %swap3A_1001], %swap3A_1004 {strides = array<i32>} : memref<8x32x128xi32, #tpu.memory_space<vmem>>, vector<1x32x128xi32>,
    %swap3A_1005 = arith.constant 6 : index
    %swap3A_1006 = arith.constant 0 : index
    %swap3A_1007 = arith.constant 0 : index
    %swap3A_1008 = vector.load %arg6[%swap3A_1005, %swap3A_1006, %swap3A_1007] : memref<8x32x128xf32, #tpu.memory_space<vmem>>, vector<1x32x128xf32>
    %swap3A_1009 = vector.shape_cast %swap3A_1008 : vector<1x32x128xf32> to vector<32x128xf32>
    %swap3A_1010 = vector.shape_cast %select_n3A_873 : vector<32x128xf32> to vector<1x32x128xf32>
    tpu.vector_store %arg6[%swap3A_1005, %swap3A_1006, %swap3A_1007], %swap3A_1010 {strides = array<i32>} : memref<8x32x128xf32, #tpu.memory_space<vmem>>, vector<1x32x128xf32>,
    %swap3A_1011 = arith.constant 7 : index
    %swap3A_1012 = arith.constant 0 : index
    %swap3A_1013 = arith.constant 0 : index
    %swap3A_1014 = vector.load %arg4[%swap3A_1011, %swap3A_1012, %swap3A_1013] : memref<8x32x128xf32, #tpu.memory_space<vmem>>, vector<1x32x128xf32>
    %swap3A_1015 = vector.shape_cast %swap3A_1014 : vector<1x32x128xf32> to vector<32x128xf32>
    %swap3A_1016 = vector.shape_cast %select_n3A_883 : vector<32x128xf32> to vector<1x32x128xf32>
    tpu.vector_store %arg4[%swap3A_1011, %swap3A_1012, %swap3A_1013], %swap3A_1016 {strides = array<i32>} : memref<8x32x128xf32, #tpu.memory_space<vmem>>, vector<1x32x128xf32>,
    %swap3A_1017 = arith.constant 7 : index
    %swap3A_1018 = arith.constant 0 : index
    %swap3A_1019 = arith.constant 0 : index
    %swap3A_1020 = vector.load %arg5[%swap3A_1017, %swap3A_1018, %swap3A_1019] : memref<8x32x128xi32, #tpu.memory_space<vmem>>, vector<1x32x128xi32>
    %swap3A_1021 = vector.shape_cast %swap3A_1020 : vector<1x32x128xi32> to vector<32x128xi32>
    %swap3A_1022 = vector.shape_cast %select_n3A_884 : vector<32x128xi32> to vector<1x32x128xi32>
    tpu.vector_store %arg5[%swap3A_1017, %swap3A_1018, %swap3A_1019], %swap3A_1022 {strides = array<i32>} : memref<8x32x128xi32, #tpu.memory_space<vmem>>, vector<1x32x128xi32>,
    %swap3A_1023 = arith.constant 7 : index
    %swap3A_1024 = arith.constant 0 : index
    %swap3A_1025 = arith.constant 0 : index
    %swap3A_1026 = vector.load %arg6[%swap3A_1023, %swap3A_1024, %swap3A_1025] : memref<8x32x128xf32, #tpu.memory_space<vmem>>, vector<1x32x128xf32>
    %swap3A_1027 = vector.shape_cast %swap3A_1026 : vector<1x32x128xf32> to vector<32x128xf32>
    %swap3A_1028 = vector.shape_cast %select_n3A_885 : vector<32x128xf32> to vector<1x32x128xf32>
    tpu.vector_store %arg6[%swap3A_1023, %swap3A_1024, %swap3A_1025], %swap3A_1028 {strides = array<i32>} : memref<8x32x128xf32, #tpu.memory_space<vmem>>, vector<1x32x128xf32>,
    %eq3A_1029 = arith.constant 3 : i32
    %eq3A_1030 = arith.cmpi eq, %arg1, %eq3A_1029 : i32
    %convert_element_type3A_1031 = arith.extui %eq3A_1030 : i1 to i32
    %cond3A_1032 = arith.constant 0 : i32
    %cond3A_1033 = arith.cmpi ne, %convert_element_type3A_1031, %cond3A_1032 : i32
    scf.if %cond3A_1033 {
      %gt3A_1041 = arith.cmpf ogt, %select_n3A_811, %select_n3A_799 : vector<32x128xf32>
      %eq3A_1042 = arith.cmpf oeq, %select_n3A_811, %select_n3A_799 : vector<32x128xf32>
      %lt3A = arith.cmpi slt, %select_n3A_812, %select_n3A_800 : vector<32x128xi32>
      %and3A_1043 = arith.andi %eq3A_1042, %lt3A : vector<32x128xi1>
      %or3A = arith.ori %gt3A_1041, %and3A_1043 : vector<32x128xi1>
      %select_n3A_1044 = arith.select %or3A, %select_n3A_811, %select_n3A_799 : vector<32x128xi1>, vector<32x128xf32>
      %select_n3A_1045 = arith.select %or3A, %select_n3A_812, %select_n3A_800 : vector<32x128xi1>, vector<32x128xi32>
      %select_n3A_1046 = arith.select %or3A, %select_n3A_813, %select_n3A_801 : vector<32x128xi1>, vector<32x128xf32>
      %gt3A_1047 = arith.cmpf ogt, %select_n3A_823, %select_n3A_1044 : vector<32x128xf32>
      %eq3A_1048 = arith.cmpf oeq, %select_n3A_823, %select_n3A_1044 : vector<32x128xf32>
      %lt3A_1049 = arith.cmpi slt, %select_n3A_824, %select_n3A_1045 : vector<32x128xi32>
      %and3A_1050 = arith.andi %eq3A_1048, %lt3A_1049 : vector<32x128xi1>
      %or3A_1051 = arith.ori %gt3A_1047, %and3A_1050 : vector<32x128xi1>
      %select_n3A_1052 = arith.select %or3A_1051, %select_n3A_823, %select_n3A_1044 : vector<32x128xi1>, vector<32x128xf32>
      %select_n3A_1053 = arith.select %or3A_1051, %select_n3A_824, %select_n3A_1045 : vector<32x128xi1>, vector<32x128xi32>
      %select_n3A_1054 = arith.select %or3A_1051, %select_n3A_825, %select_n3A_1046 : vector<32x128xi1>, vector<32x128xf32>
      %gt3A_1055 = arith.cmpf ogt, %select_n3A_835, %select_n3A_1052 : vector<32x128xf32>
      %eq3A_1056 = arith.cmpf oeq, %select_n3A_835, %select_n3A_1052 : vector<32x128xf32>
      %lt3A_1057 = arith.cmpi slt, %select_n3A_836, %select_n3A_1053 : vector<32x128xi32>
      %and3A_1058 = arith.andi %eq3A_1056, %lt3A_1057 : vector<32x128xi1>
      %or3A_1059 = arith.ori %gt3A_1055, %and3A_1058 : vector<32x128xi1>
      %select_n3A_1060 = arith.select %or3A_1059, %select_n3A_835, %select_n3A_1052 : vector<32x128xi1>, vector<32x128xf32>
      %select_n3A_1061 = arith.select %or3A_1059, %select_n3A_836, %select_n3A_1053 : vector<32x128xi1>, vector<32x128xi32>
      %select_n3A_1062 = arith.select %or3A_1059, %select_n3A_837, %select_n3A_1054 : vector<32x128xi1>, vector<32x128xf32>
      %gt3A_1063 = arith.cmpf ogt, %select_n3A_847, %select_n3A_1060 : vector<32x128xf32>
      %eq3A_1064 = arith.cmpf oeq, %select_n3A_847, %select_n3A_1060 : vector<32x128xf32>
      %lt3A_1065 = arith.cmpi slt, %select_n3A_848, %select_n3A_1061 : vector<32x128xi32>
      %and3A_1066 = arith.andi %eq3A_1064, %lt3A_1065 : vector<32x128xi1>
      %or3A_1067 = arith.ori %gt3A_1063, %and3A_1066 : vector<32x128xi1>
      %select_n3A_1068 = arith.select %or3A_1067, %select_n3A_847, %select_n3A_1060 : vector<32x128xi1>, vector<32x128xf32>
      %select_n3A_1069 = arith.select %or3A_1067, %select_n3A_848, %select_n3A_1061 : vector<32x128xi1>, vector<32x128xi32>
      %select_n3A_1070 = arith.select %or3A_1067, %select_n3A_849, %select_n3A_1062 : vector<32x128xi1>, vector<32x128xf32>
      %gt3A_1071 = arith.cmpf ogt, %select_n3A_859, %select_n3A_1068 : vector<32x128xf32>
      %eq3A_1072 = arith.cmpf oeq, %select_n3A_859, %select_n3A_1068 : vector<32x128xf32>
      %lt3A_1073 = arith.cmpi slt, %select_n3A_860, %select_n3A_1069 : vector<32x128xi32>
      %and3A_1074 = arith.andi %eq3A_1072, %lt3A_1073 : vector<32x128xi1>
      %or3A_1075 = arith.ori %gt3A_1071, %and3A_1074 : vector<32x128xi1>
      %select_n3A_1076 = arith.select %or3A_1075, %select_n3A_859, %select_n3A_1068 : vector<32x128xi1>, vector<32x128xf32>
      %select_n3A_1077 = arith.select %or3A_1075, %select_n3A_860, %select_n3A_1069 : vector<32x128xi1>, vector<32x128xi32>
      %select_n3A_1078 = arith.select %or3A_1075, %select_n3A_861, %select_n3A_1070 : vector<32x128xi1>, vector<32x128xf32>
      %gt3A_1079 = arith.cmpf ogt, %select_n3A_871, %select_n3A_1076 : vector<32x128xf32>
      %eq3A_1080 = arith.cmpf oeq, %select_n3A_871, %select_n3A_1076 : vector<32x128xf32>
      %lt3A_1081 = arith.cmpi slt, %select_n3A_872, %select_n3A_1077 : vector<32x128xi32>
      %and3A_1082 = arith.andi %eq3A_1080, %lt3A_1081 : vector<32x128xi1>
      %or3A_1083 = arith.ori %gt3A_1079, %and3A_1082 : vector<32x128xi1>
      %select_n3A_1084 = arith.select %or3A_1083, %select_n3A_871, %select_n3A_1076 : vector<32x128xi1>, vector<32x128xf32>
      %select_n3A_1085 = arith.select %or3A_1083, %select_n3A_872, %select_n3A_1077 : vector<32x128xi1>, vector<32x128xi32>
      %select_n3A_1086 = arith.select %or3A_1083, %select_n3A_873, %select_n3A_1078 : vector<32x128xi1>, vector<32x128xf32>
      %gt3A_1087 = arith.cmpf ogt, %select_n3A_883, %select_n3A_1084 : vector<32x128xf32>
      %eq3A_1088 = arith.cmpf oeq, %select_n3A_883, %select_n3A_1084 : vector<32x128xf32>
      %lt3A_1089 = arith.cmpi slt, %select_n3A_884, %select_n3A_1085 : vector<32x128xi32>
      %and3A_1090 = arith.andi %eq3A_1088, %lt3A_1089 : vector<32x128xi1>
      %or3A_1091 = arith.ori %gt3A_1087, %and3A_1090 : vector<32x128xi1>
      %select_n3A_1092 = arith.select %or3A_1091, %select_n3A_883, %select_n3A_1084 : vector<32x128xi1>, vector<32x128xf32>
      %select_n3A_1093 = arith.select %or3A_1091, %select_n3A_884, %select_n3A_1085 : vector<32x128xi1>, vector<32x128xi32>
      %select_n3A_1094 = arith.select %or3A_1091, %select_n3A_885, %select_n3A_1086 : vector<32x128xi1>, vector<32x128xf32>
      %reduce_max3A = arith.constant dense<0xFF800000> : vector<32xf32>
      %reduce_max3A_1095 = vector.multi_reduction <maximumf>, %select_n3A_1092, %reduce_max3A [1] : vector<32x128xf32> to vector<32xf32>
      %broadcast_in_dim3A = vector.shape_cast %reduce_max3A_1095 : vector<32xf32> to vector<32x1xf32>
      %eq3A_1096 = vector.broadcast %broadcast_in_dim3A : vector<32x1xf32> to vector<32x128xf32>
      %eq3A_1097 = arith.cmpf oeq, %select_n3A_1092, %eq3A_1096 : vector<32x128xf32>
      %jit3A = arith.constant 2147483647 : i32
      %broadcast_in_dim3A_1098 = vector.broadcast %jit3A : i32 to vector<32x128xi32>
      %select_n3A_1099 = arith.select %eq3A_1097, %select_n3A_1093, %broadcast_in_dim3A_1098 : vector<32x128xi1>, vector<32x128xi32>
      %reduce_min3A = arith.constant dense<2147483647> : vector<32xi32>
      %reduce_min3A_1100 = vector.multi_reduction <minsi>, %select_n3A_1099, %reduce_min3A [1] : vector<32x128xi32> to vector<32xi32>
      %broadcast_in_dim3A_1101 = vector.shape_cast %reduce_min3A_1100 : vector<32xi32> to vector<32x1xi32>
      %eq3A_1102 = vector.broadcast %broadcast_in_dim3A_1101 : vector<32x1xi32> to vector<32x128xi32>
      %eq3A_1103 = arith.cmpi eq, %select_n3A_1093, %eq3A_1102 : vector<32x128xi32>
      %jit3A_1104 = arith.constant 0.000000e+00 : f32
      %broadcast_in_dim3A_1105 = vector.broadcast %jit3A_1104 : f32 to vector<32x128xf32>
      %select_n3A_1106 = arith.select %eq3A_1103, %select_n3A_1094, %broadcast_in_dim3A_1105 : vector<32x128xi1>, vector<32x128xf32>
      %reduce_sum3A = arith.constant dense<0.000000e+00> : vector<32xf32>
      %reduce_sum3A_1107 = vector.multi_reduction <add>, %select_n3A_1106, %reduce_sum3A [1] : vector<32x128xf32> to vector<32xf32>
      %broadcast_in_dim3A_1108 = vector.shape_cast %reduce_sum3A_1107 : vector<32xf32> to vector<32x1xf32>
      %neg3A = arith.constant 0.000000e+00 : f32
      %neg3A_1109 = vector.broadcast %neg3A : f32 to vector<32x1xf32>
      %neg3A_1110 = arith.subf %neg3A_1109, %broadcast_in_dim3A_1108 : vector<32x1xf32>
      %exp3A = math.exp %neg3A_1110 : vector<32x1xf32>
      %add3A_1111 = arith.constant 1.000000e+00 : f32
      %add3A_1112 = vector.broadcast %add3A_1111 : f32 to vector<32x1xf32>
      %add3A_1113 = arith.addf %add3A_1112, %exp3A : vector<32x1xf32>
      %div3A = arith.constant 1.000000e+00 : f32
      %div3A_1114 = vector.broadcast %div3A : f32 to vector<32x1xf32>
      %div3A_1115 = arith.divf %div3A_1114, %add3A_1113 : vector<32x1xf32>
      %eq3A_1116 = arith.constant 0 : i32
      %eq3A_1117 = arith.cmpi eq, %arg0, %eq3A_1116 : i32
      %convert_element_type3A_1118 = arith.extui %eq3A_1117 : i1 to i32
      %cond3A_1119 = arith.constant 0 : i32
      %cond3A_1120 = arith.cmpi ne, %convert_element_type3A_1118, %cond3A_1119 : i32
      scf.if %cond3A_1120 {
        %swap3A_1131 = arith.constant 32 : index
        %swap3A_1132 = arith.constant 0 : index
        %swap3A_1133 = vector.load %arg7[%swap3A_1131, %swap3A_1132] : memref<128x1xf32, #tpu.memory_space<vmem>>, vector<32x1xf32>
        tpu.vector_store %arg7[%swap3A_1131, %swap3A_1132], %div3A_1115 {strides = array<i32>} : memref<128x1xf32, #tpu.memory_space<vmem>>, vector<32x1xf32>,
      } else {
      }
      %eq3A_1121 = arith.constant 1 : i32
      %eq3A_1122 = arith.cmpi eq, %arg0, %eq3A_1121 : i32
      %convert_element_type3A_1123 = arith.extui %eq3A_1122 : i1 to i32
      %cond3A_1124 = arith.constant 0 : i32
      %cond3A_1125 = arith.cmpi ne, %convert_element_type3A_1123, %cond3A_1124 : i32
      scf.if %cond3A_1125 {
        %swap3A_1131 = arith.constant 64 : index
        %swap3A_1132 = arith.constant 0 : index
        %swap3A_1133 = vector.load %arg7[%swap3A_1131, %swap3A_1132] : memref<128x1xf32, #tpu.memory_space<vmem>>, vector<32x1xf32>
        tpu.vector_store %arg7[%swap3A_1131, %swap3A_1132], %div3A_1115 {strides = array<i32>} : memref<128x1xf32, #tpu.memory_space<vmem>>, vector<32x1xf32>,
      } else {
      }
      %eq3A_1126 = arith.constant 2 : i32
      %eq3A_1127 = arith.cmpi eq, %arg0, %eq3A_1126 : i32
      %convert_element_type3A_1128 = arith.extui %eq3A_1127 : i1 to i32
      %cond3A_1129 = arith.constant 0 : i32
      %cond3A_1130 = arith.cmpi ne, %convert_element_type3A_1128, %cond3A_1129 : i32
      scf.if %cond3A_1130 {
        %swap3A_1131 = arith.constant 96 : index
        %swap3A_1132 = arith.constant 0 : index
        %swap3A_1133 = vector.load %arg7[%swap3A_1131, %swap3A_1132] : memref<128x1xf32, #tpu.memory_space<vmem>>, vector<32x1xf32>
        tpu.vector_store %arg7[%swap3A_1131, %swap3A_1132], %div3A_1115 {strides = array<i32>} : memref<128x1xf32, #tpu.memory_space<vmem>>, vector<32x1xf32>,
      } else {
      }
    } else {
    }
    %eq3A_1034 = arith.constant 2 : i32
    %eq3A_1035 = arith.cmpi eq, %arg0, %eq3A_1034 : i32
    %eq3A_1036 = arith.constant 3 : i32
    %eq3A_1037 = arith.cmpi eq, %arg1, %eq3A_1036 : i32
    %and3A = arith.andi %eq3A_1035, %eq3A_1037 : i1
    %convert_element_type3A_1038 = arith.extui %and3A : i1 to i32
    %cond3A_1039 = arith.constant 0 : i32
    %cond3A_1040 = arith.cmpi ne, %convert_element_type3A_1038, %cond3A_1039 : i32
    scf.if %cond3A_1040 {
      %get3A_1041 = arith.constant 0 : index
      %get3A_1042 = arith.constant 0 : index
      %get3A_1043 = vector.load %arg7[%get3A_1041, %get3A_1042] : memref<128x1xf32, #tpu.memory_space<vmem>>, vector<128x1xf32>
      %transpose3A = tpu.transpose %get3A_1043, [1, 0] : vector<128x1xf32> -> vector<1x128xf32>
      %swap3A_1044 = arith.constant 0 : index
      %swap3A_1045 = arith.constant 0 : index
      %swap3A_1046 = vector.load %arg3[%swap3A_1044, %swap3A_1045] : memref<1x128xf32, #tpu.memory_space<vmem>>, vector<1x128xf32>
      tpu.vector_store %arg3[%swap3A_1044, %swap3A_1045], %transpose3A {strides = array<i32>} : memref<1x128xf32, #tpu.memory_space<vmem>>, vector<1x128xf32>,
    } else {
    }
    return
  }
  func.func @transform_0(%arg0: i32, %arg1: i32) -> (i32, i32) {
    %add3A = arith.constant 1 : i32
    %add3A_0 = arith.addi %arg0, %add3A : i32
    %c0_i32 = arith.constant 0 : i32
    return %add3A_0, %arg1 : i32, i32
  }
  func.func @transform_1(%arg0: i32, %arg1: i32) -> (i32, i32) {
    %c0_i32 = arith.constant 0 : i32
    %c0_i32_0 = arith.constant 0 : i32
    %c0_i32_1 = arith.constant 0 : i32
    return %c0_i32, %c0_i32_0 : i32, i32
  }
}

</mosaic_0001>

<sc_bundles>
// kernel: kernel.4.cloned.1.call-start
scs
__scs_entry_jumppad:
0x0: {  	(pc) =	sbr.rel $0x88, $3  }
0x1: {  	(tag) =	ssettag $0x0;
	lr =	simm.s32 $0x1  }
0x2: {  	[smem:$0x3F9F] =	sst lr;
	_ =	strace $0xD0000000  }
0x3: {  	_ = 	snop  }
0x4: {  	_ = 	snop  }
0x5: {  	_ = 	snop  }
0x6: {  	_ = 	snop  }
0x7: {  	_ = 	snop  }
__scs_overlays_trampoline_lowered:
0x8: {  	[smem:$0x3FAE] =	sst s0  }
0x9: {  	[smem:$0x3FAF] =	sst s1  }
0xa: {  	[smem:$0x3FB0] =	sst s2  }
0xb: {  	[smem:$0x3FB1] =	sst s3  }
0xc: {  	[smem:$0x3FB2] =	sst s4  }
0xd: {  	[smem:$0x3FB3] =	sst s5  }
0xe: {  	[smem:$0x3FB4] =	sst s6  }
0xf: {  	[smem:$0x3FB5] =	sst s7  }
0x10: {  	[smem:$0x3FB6] =	sst s8  }
0x11: {  	[smem:$0x3FB7] =	sst s9;
	s0 =	simm.s32 @!p0 $0x0  }
0x12: {  	s1 =	sld [smem:$0x3F9D];
	s0 =	simm.s32 @p0 $0x1  }
0x13: {  	[smem:$0x3FB8] =	sst s0;
	s0 =	simm.s32 @!p1 $0x0  }
0x14: {  	s2 =	sld [smem:$0x3F9C];
	s0 =	simm.s32 @p1 $0x1  }
0x15: {  	[smem:$0x3FB9] =	sst s0;
	s0 =	simm.s32 @!p2 $0x0  }
0x16: {  	s3 =	sld [smem:$0x3FDB];
	s0 =	simm.s32 @p2 $0x1  }
0x17: {  	s4 =	simm.s32 $0x1BF5;
	[smem:$0x3FBB] =	sst s0  }
0x18: {  	s0 =	sld [smem:$0x3F9E];
	_ =	swait.ge [sflag:s4], $0x0  }
0x19: {  	s7 =	sld [smem:$0x3F9F]  }
0x1a: {  	s8 =	sadd.s32 $0xFFFFE003, lr  }
0x1b: {  	s9 =	sadd.s32 $0xFFFFFEF7, lr;
	s5 =	simm.s32 $0xFFFFFFFF;
	p2 =	slt.u32 s8, $0xFFFFF086  }
0x1c: {  	p1 =	slt.u32 s9, $0xF7A;
	s5 =	simm.s32 @!p2 $0x0  }
0x1d: {  	s5 =	simm.s32 @p1 $0x1;
	p0 =	seq.s32 s7, s2  }
0x1e: {  	s7 =	smul.u32 @!p0 $0xF7A, s2;
	p2 =	seq.s32 @!p0 s5, $0x0  }
0x1f: {  	s9 =	smul.u32 $0xF7A, s1;
	s8 =	simm.s32 @!p0 $0x1BF5;
	p2 =	por !p2, p0  }
0x20: {  	[sflag:s8] =	ssyncset.s32 @!p0 $0xFFFFF086;
	s6 =	sadd.s32 @!p0 s3, s7;
	s7 =	simm.s32 @!p0 $0x108  }
0x21: {  	s3 =	sadd.s32 s3, s9;
	s6 =	sadd.s32 @!p0 $0x88, s6;
	s7 =	simm.s32 @p2 $0x1082  }
0x22: {  	[simem:s7], [sflag:s8] =	dma.local @!p0 [hbm:s6], $0xF7A  }
0x23: {  	s9 =	sor.u32 $0xD0000000, s2;
	s6 =	simm.s32 $0x108;
	_ =	swait.ge @!p0 [sflag:s8], $0x0  }
0x24: {  	s3 =	sadd.s32 $0x88, s3;
	s6 =	simm.s32 @!p1 $0x1082;
	[sflag:s4] =	ssyncset.s32 $0xFFFFF086  }
0x25: {  	[simem:s6], [sflag:s4] =	dma.local [hbm:s3], $0xF7A  }
0x26: {  	[smem:$0x3F9F] =	sst s1;
	(tag) =	ssettag s2;
	_ =	strace s9  }
0x27: {  	s1 =	sld [smem:$0x3FAF]  }
0x28: {  	s2 =	sld [smem:$0x3FB0]  }
0x29: {  	s4 =	sld [smem:$0x3FB2]  }
0x2a: {  	p0 =	seq.s32 s5, $0x0;
	s5 =	sld [smem:$0x3FB3]  }
0x2b: {  	s6 =	sld [smem:$0x3FB4]  }
0x2c: {  	s7 =	sld [smem:$0x3FB5]  }
0x2d: {  	s3 =	simm.s32 $0x108;
	s8 =	sld [smem:$0x3FB6]  }
0x2e: {  	s3 =	simm.s32 @!p0 $0x1082;
	s9 =	sld [smem:$0x3FB7]  }
0x2f: {  	lr =	sadd.s32 s0, s3;
	s0 =	sld [smem:$0x3FAE]  }
0x30: {  	s3 =	sld [smem:$0x3FB1]  }
0x31: {  	[smem:$0x3FBA] =	sst s10  }
0x32: {  	s10 =	sld [smem:$0x3FB8];
	_ =	sdelay $0x3  }
0x33: {  	p0 =	seq.s32 s10, $0x1;
	s10 =	sld [smem:$0x3FBA];
	_ =	sdelay $0x3  }
0x34: {  	[smem:$0x3FBA] =	sst s10  }
0x35: {  	s10 =	sld [smem:$0x3FB9];
	_ =	sdelay $0x3  }
0x36: {  	p1 =	seq.s32 s10, $0x1;
	s10 =	sld [smem:$0x3FBA];
	_ =	sdelay $0x3  }
0x37: {  	[smem:$0x3FBA] =	sst s10  }
0x38: {  	s10 =	sld [smem:$0x3FBB]  }
0x39: {  	_ = 	snop;
	(pc) =	sbr.ind lr, $3  }
0x3a: {  	_ = 	snop  }
0x3b: {  	_ = 	snop  }
0x3c: {  	p2 =	seq.s32 s10, $0x1;
	s10 =	sld [smem:$0x3FBA]  }
0x3d: {  	_ =	shalt  }
0x3e: {  	_ =	shalt  }
0x3f: {  	_ =	shalt  }
0x40: {  	_ =	shalt  }
0x41: {  	_ =	shalt  }
0x42: {  	_ =	shalt  }
0x43: {  	_ =	shalt  }
0x44: {  	_ =	shalt  }
0x45: {  	_ =	shalt  }
0x46: {  	_ =	shalt  }
0x47: {  	_ =	shalt  }
0x48: {  	_ =	shalt  }
0x49: {  	_ =	shalt  }
0x4a: {  	_ =	shalt  }
0x4b: {  	_ =	shalt  }
0x4c: {  	_ =	shalt  }
0x4d: {  	_ =	shalt  }
0x4e: {  	_ =	shalt  }
0x4f: {  	_ =	shalt  }
0x50: {  	_ =	shalt  }
0x51: {  	_ =	shalt  }
0x52: {  	_ =	shalt  }
0x53: {  	_ =	shalt  }
0x54: {  	_ =	shalt  }
0x55: {  	_ =	shalt  }
0x56: {  	_ =	shalt  }
0x57: {  	_ =	shalt  }
0x58: {  	_ =	shalt  }
0x59: {  	_ =	shalt  }
0x5a: {  	_ =	shalt  }
0x5b: {  	_ =	shalt  }
0x5c: {  	_ =	shalt  }
0x5d: {  	_ =	shalt  }
0x5e: {  	_ =	shalt  }
0x5f: {  	_ =	shalt  }
0x60: {  	_ =	shalt  }
0x61: {  	_ =	shalt  }
0x62: {  	_ =	shalt  }
0x63: {  	_ =	shalt  }
0x64: {  	_ =	shalt  }
0x65: {  	_ =	shalt  }
0x66: {  	_ =	shalt  }
0x67: {  	_ =	shalt  }
0x68: {  	_ =	shalt  }
0x69: {  	_ =	shalt  }
0x6a: {  	_ =	shalt  }
0x6b: {  	_ =	shalt  }
0x6c: {  	_ =	shalt  }
0x6d: {  	_ =	shalt  }
0x6e: {  	_ =	shalt  }
0x6f: {  	_ =	shalt  }
0x70: {  	_ =	shalt  }
0x71: {  	_ =	shalt  }
0x72: {  	_ =	shalt  }
0x73: {  	_ =	shalt  }
0x74: {  	_ =	shalt  }
0x75: {  	_ =	shalt  }
0x76: {  	_ =	shalt  }
0x77: {  	_ =	shalt  }
0x78: {  	_ =	shalt  }
0x79: {  	_ =	shalt  }
0x7a: {  	_ =	shalt  }
0x7b: {  	_ =	shalt  }
0x7c: {  	_ =	shalt  }
0x7d: {  	_ =	shalt  }
0x7e: {  	_ =	shalt  }
0x7f: {  	_ =	shalt  }
0x80: {  	_ =	shalt  }
0x81: {  	_ =	shalt  }
0x82: {  	_ =	shalt  }
0x83: {  	_ =	shalt  }
0x84: {  	_ =	shalt  }
0x85: {  	_ =	shalt  }
0x86: {  	_ =	shalt  }
0x87: {  	_ =	shalt  }
.Lfunc_end0:
.L_simem_size_0:
called_computation_lowered:
.L_overlay_start_0:
0x88: {  	s2 =	sld [smem:$0x3FD9]  }
0x89: {  	s3 =	sld [smem:$0x3FFE];
	_ =	sdelay $0x1  }
0x8a: {  	s1 =	srdreg.scid  }
0x8b: {  	s0 =	sand.u32 $0x1, s1  }
0x8c: {  	s18 =	sshll.u32 s0, $0xA;
	s2 =	sadd.s32 s3, s2  }
0x8d: {  	s2 =	sadd.s32 s2, s18  }
0x8e: {  	[smem:$0x3FC6] =	sst s2  }
0x8f: {  	_ = 	snop  }
0x90: {  	s2 =	sld [smem:$0x3FC9]  }
0x91: {  	s19 =	sld [smem:$0x3FC8]  }
0x92: {  	s4 =	sld [smem:$0x3FD0];
	(tm) =	ssettm $0x1  }
0x93: {  	s5 =	sld [smem:$0x3FFB];
	_ =	sdelay $0x3  }
0x94: {  	_ =	strace s5  }
0x95: {  	s5 =	sld [smem:$0x3FFC];
	_ =	sdelay $0x3  }
0x96: {  	_ =	strace s5  }
0x97: {  	s5 =	sld [smem:$0x3FFD];
	_ =	sdelay $0x3  }
0x98: {  	_ =	strace s5  }
0x99: {  	_ =	strace $0x8FFFFFFF  }
0x9a: {  	s20 =	sld [smem:$0x3FDB];
	_ =	sdelay $0x1  }
0x9b: {  	s6 =	simm.s32 $_scs_section_size  }
0x9c: {  	s7 =	simm.s32 $_size__tile_overlayer_lowered;
	s8 =	simm.s32 $_tile_overlayer_lowered  }
0x9d: {  	s23 =	simm.s32 $0x1BFF;
	s22 =	sshll.u32 s8, $0x1;
	s5 =	sadd.s32 s6, s20  }
0x9e: {  	s9 =	simm.s32 $0x0;
	s21 =	sshll.u32 s7, $0x1;
	s7 =	sadd.s32 s22, s5  }
0x9f: {  	[timem:s9], [sflag:s23] =	dma.local [hbm:s7], s21  }
0xa0: {  	_ =	swait.ge [sflag:s23], s21  }
0xa1: {  	s6 =	ssub.s32 $0x0, s21;
	[sflag:s23] =	ssyncset.done $0x0  }
0xa2: {  	[sflag:s23] =	ssyncadd.s32 s6;
	_ =	sdelay $0x1  }
0xa3: {  	s24 =	simm.s32 $0x1B8B  }
0xa4: {  	_ =	swait.ge [sflag:s24], $0x1  }
0xa5: {  	[sflag:s24] =	ssyncset.done $0x0  }
0xa6: {  	s25 =	simm.s32 $0x1B8E;
	[sflag:s24] =	ssyncadd.s32 $0xFFFFFFFF  }
0xa7: {  	s26 =	simm.s32 $execute0_lowered;
	[smem:$0x3FD2] =	sst s25  }
0xa8: {  	s6 =	sshll.u32 s26, $0x1;
	_ =	strace $0x80000046;
	[dreg:$0x1] =	wrdreg $0xFFFFFFFF  }
0xa9: {  	s28 =	simm.s32 $_size_execute0_lowered;
	s5 =	sadd.s32 s5, s6;
	[dreg:$0x0] =	wrdreg $0x0  }
0xaa: {  	s6 =	sshll.u32 s28, $0x1;
	[dreg:$0x2] =	wrdreg s5  }
0xab: {  	[dreg:$0x3] =	wrdreg s6  }
0xac: {  	[dreg:$0x4] =	wrdreg $0xC0  }
0xad: {  	_ =	task [dreg:s9], $0x5FFFF  }
0xae: {  	[dreg:$0x1] =	wrdreg $0xFFFFFFFF  }
0xaf: {  	[dreg:$0x0] =	wrdreg $0x60  }
0xb0: {  	[dreg:$0x2] =	wrdreg s2  }
0xb1: {  	[dreg:$0x3] =	wrdreg s19  }
0xb2: {  	[dreg:$0x4] =	wrdreg s4  }
0xb3: {  	[dreg:$0x5] =	wrdreg $0x82800  }
0xb4: {  	[dreg:$0x6] =	wrdreg $0x9  }
0xb5: {  	_ =	task.clear_ibuf [dreg:s9], $0x7FFFF;
	_ =	strace $0x90000046  }
0xb6: {  	s29 =	simm.s32 $0x9;
	_ =	strace $0x80000048  }
0xb7: {  	_ =	swait.ge [sflag:s29], $0x1  }
0xb8: {  	[sflag:s29] =	ssyncadd.s32 $0xFFFFFFFF  }
0xb9: {  	_ =	strace $0x90000048  }
0xba: {  	_ =	sfence  }
0xbb: {  	s30 =	sld [smem:$0x0];
	_ =	sdelay $0x2  }
0xbc: {  	s31 =	sshll.u32 s1, $0xD;
	s1 =	sshrl.u32 s1, $0x2  }
0xbd: {  	s3 =	sand.u32 $0x4000, s31;
	s1 =	sadd.s32 s1, s30  }
0xbe: {  	s0 =	sor.u32 s3, s0;
	s1 =	sshll.u32 s1, $0x11  }
0xbf: {  	s0 =	sor.u32 s1, s0  }
0xc0: {  	s0 =	sadd.s32 $0x8F2B, s0  }
0xc1: {  	[sflag:s0] =	ssyncadd.remote.s32 $0x1  }
0xc2: {  	_ =	sfence.sel $0xFFFF  }
0xc3: {  	[dreg:$0x0] =	wrdreg $0xFFFFFFFF;
	(pc) =	sbr.abs _section_cstart, $3  }
0xc4: {  	[dreg:$0x1] =	wrdreg $0xFFFFFFFF  }
0xc5: {  	_ =	task.clear_ibuf [dreg:s9], $0x2FFFF;
	_ =	strace $0x9FFFFFFF  }
0xc6: {  	(tm) =	ssettm $0x7FFFFFFF  }
0xc7: {  	_ =	shalt  }
tec
execute0_lowered:
.L_overlay_start_1:
0x0: {  	(tag) =	ssettag $0x1  }
0x1: {  	s5 =	rddreg [dreg:$0x0]  }
0x2: {  	s3 =	rddreg [dreg:$0x1];
	v0 =	vimm.s32 $0xEFCDAB89;
	v1 =	vimm.s32 $0x67452301;
	v4 =	vimm.s32 $0xDCFE98BA  }
0x3: {  	s7 =	rddreg [dreg:$0x2];
	s16 =	stileid.u32;
	v6 =	vimm.s32 $0x32107654;
	v2 =	vunpack.c.l.s4.s8 v0;
	v1 =	vunpack.c.l.s4.s8 v1  }
0x4: {  	s1 =	rddreg [dreg:$0x3];
	v7 =	vimm.s32 $0xFEDCBA98;
	v3 =	vmov s16;
	v0 =	vlaneseq.u32  }
0x5: {  	s0 =	rddreg [dreg:$0x4];
	s2 =	simm.s32 $0x0;
	s4 =	srdreg.scid;
	v4 =	vunpack.c.l.s4.s8 v4;
	v2 =	vunpack.c.0.s8.s32 v2;
	v5 =	vunpack.c.0.s8.s32 v1  }
0x6: {  	s12 =	simm.s32 $0x8000;
	s13 =	simm.s32 $0x3;
	s14 =	simm.s32 $0x1;
	v7 =	vunpack.c.l.s4.s8 v7;
	vm0 =	veq.s32 v3, v0;
	v3 =	vimm.s32 $0x0  }
0x7: {  	s15 =	simm.s32 $0x2;
	s17 =	simm.s32 $0x0;
	[smem:$0x7FF] =	sst s2;
	v3 =	vsel vm0, $0xFFFFFFFF, v3;
	v5 =	vcombine.low v5, v2;
	v2 =	vimm.s32 $0x54761032  }
0x8: {  	s4 =	sand.u32 $0x1, s4;
	s6 =	sshll.u32 s16, $0xC;
	s9 =	sshll.u32 s16, $0x4;
	[tilespmem:$0x1FFF0] =	vst v3;
	v3 =	vunpack.c.0.s8.s32 v4;
	v4 =	vimm.s32 $0xBA98FEDC;
	v2 =	vunpack.c.l.s4.s8 v2  }
0x9: {  	v6 =	vunpack.c.l.s4.s8 v6;
	p0 =	sne.s32 s16, $0x0;
	s16 =	simm.s32 $0x8080;
	s8 =	sshll.u32 s4, $0x10;
	v4 =	vunpack.c.l.s4.s8 v4  }
0xa: {  	s6 =	sand.u32 $0x8000, s6;
	s10 =	ssub.s32 $0x2, s4;
	s29 =	sand.u32 $0x70, s9;
	v7 =	vunpack.c.0.s8.s32 v7;
	v8 =	vunpack.c.0.s8.s32 v2;
	v2 =	vimm.s32 $0x76543210  }
0xb: {  	s31 =	sshll.u32 s4, $0x1;
	s6 =	sor.u32 s8, s6;
	s11 =	sshrl.u32 s10, $0x1;
	v6 =	vunpack.c.0.s8.s32 v6;
	v4 =	vunpack.c.0.s8.s32 v4;
	v9 =	vunpack.c.l.s4.s8 v2  }
0xc: {  	v1 =	vor.u32 $0x4000, v0;
	s5 =	sadd.s32 s5, s31;
	s7 =	sadd.s32 s7, s31;
	s6 =	sor.u32 s29, s6;
	v11 =	vand.u32 $0xF, v7;
	v5 =	vand.u32 $0xF, v5  }
0xd: {  	s30 =	ssub.s32 s10, s11;
	s10 =	simm.s32 $0x400;
	s11 =	simm.s32 $0x4000;
	v10 =	vcombine.low v6, v4;
	v8 =	vcombine.low v8, v3;
	v9 =	vunpack.c.0.s8.s32 v9  }
0xe: {  	_ =	strace $0x80000047;
	s3 =	sadd.s32 s3, s6;
	s6 =	sadd.s32 s9, s1;
	v2 =	vor.u32 $0x4010, v0;
	v4 =	vor.u32 $0x4030, v0;
	v3 =	vor.u32 $0x4020, v0  }
0xf: {  	s8 =	smax.u32 s30, $0x1;
	s9 =	simm.s32 $0x80;
	s4 =	sadd.s32 $0x4000, s3;
	v7 =	vand.u32 $0xF, v10;
	v6 =	vand.u32 $0xF, v8;
	v8 =	vcombine.low v11, v9  }
.LBB2_1:
0x10: {  	[tilespmem:s2], [sflag:$0x1] =	stream.strided.gather [hbm4b:s3+s9], $0x4000, s10, s9, $0x38;
	[tilespmem:$0x8290] =	vst v63  }
0x11: {  	_ = 	snop  }
0x12: {  	[tilespmem:s11], [sflag:$0x2] =	stream.strided.gather [hbm4b:s4+s9], $0x4000, s10, s9, $0x38;
	[tilespmem:$0x8290] =	vst v63  }
0x13: {  	_ = 	snop  }
0x14: {  	[tilespmem:s12], [sflag:$0x3] =	stream.linear.gather [hbm4b:s5+s2], $0x10, $0x38;
	[tilespmem:$0x8290] =	vst v63  }
0x15: {  	_ =	swait.ge [sflag:s13], $0x10  }
0x16: {  	[sflag:s13] =	ssyncset.done $0x0  }
0x17: {  	[sflag:s13] =	ssyncadd.s32 $0xFFFFFFF0  }
0x18: {  	_ =	swait.ge [sflag:s14], $0x4000  }
0x19: {  	[sflag:s14] =	ssyncset.done $0x0  }
0x1a: {  	s18 =	simm.s32 $0x0;
	[sflag:s14] =	ssyncadd.s32 $0xFFFFC000  }
0x1b: {  	v9 =	vld [tilespmem:s18+$0x40]  }
0x1c: {  	v18 =	vld [tilespmem:s18+$0x50]  }
0x1d: {  	v13 =	vor.u32 $0x10, v0;
	v12 =	vor.u32 $0x20, v0;
	v11 =	vor.u32 $0x30, v0;
	v28 =	vld [tilespmem:s18+$0x60]  }
0x1e: {  	v19 =	vimm.f32 $-1.000000000e+00;
	v20 =	vimm.s32 $0x0;
	v30 =	vimm.f32 $0.0e+00;
	v10 =	vld [tilespmem:s18+$0x70]  }
0x1f: {  	v34 =	vadd.s32 $0x40, v0;
	v15 =	vlaneseq.u32;
	v21 =	vimm.f32 $-1.000000000e+00;
	v33 =	vld [tilespmem:s18+$0x0]  }
0x20: {  	v27 =	vimm.f32 $-1.000000000e+00;
	v29 =	vimm.f32 $-1.000000000e+00;
	v17 =	vimm.f32 $0.0e+00;
	v14 =	vld [tilespmem:s18+$0x10]  }
0x21: {  	v26 =	vimm.s32 $0x0;
	v16 =	vimm.f32 $0.0e+00;
	v24 =	vimm.s32 $0x0;
	v31 =	vld [tilespmem:s18+$0x20]  }
0x22: {  	v25 =	vimm.f32 $0.0e+00;
	v23 =	vimm.s32 $0x0;
	v22 =	vadd.s32 $0x40, v13;
	v32 =	vld [tilespmem:s18+$0x30];
	s18 =	simm.s32 $0x200  }
.LBB2_2:
0x23: {  	p1 =	sne.s32 s18, $0xFE00;
	v35 =	vadd.s32 $0x40, v12;
	v36 =	vadd.s32 $0x40, v11;
	v37 =	vand.u32 $0x7FFFFFFF, v9  }
0x24: {  	v39 =	vand.u32 $0x7FFFFFFF, v18;
	v40 =	vand.u32 $0x7FFFFFFF, v28;
	v38 =	vand.u32 $0x7FFFFFFF, v33  }
0x25: {  	v42 =	vand.u32 $0x7FFFFFFF, v10;
	vm1 =	vgt.f32 v38, v19;
	v41 =	vand.u32 $0x7FFFFFFF, v14  }
0x26: {  	v19 =	vsel vm1, v38, v19;
	v20 =	vsel vm1, v15, v20;
	v30 =	vsel vm1, v33, v30  }
0x27: {  	v33 =	vand.u32 $0x7FFFFFFF, v31;
	v38 =	vand.u32 $0x7FFFFFFF, v32;
	vm1 =	vgt.f32 v37, v19  }
0x28: {  	v19 =	vsel vm1, v37, v19;
	v20 =	vsel vm1, v34, v20;
	v30 =	vsel vm1, v9, v30  }
0x29: {  	vm2 =	vgt.f32 v33, v27;
	vm1 =	vgt.f32 v41, v21;
	vm3 =	vgt.f32 v38, v29  }
0x2a: {  	s19 =	sshra.s32 s18, $0x2;
	v27 =	vsel vm2, v33, v27;
	v21 =	vsel vm1, v41, v21;
	v29 =	vsel vm3, v38, v29  }
0x2b: {  	vm5 =	vgt.f32 v40, v27;
	vm4 =	vgt.f32 v39, v21;
	vm6 =	vgt.f32 v42, v29;
	v9 =	vld [tilespmem:s19+$0x40]  }
0x2c: {  	v27 =	vsel vm5, v40, v27;
	v21 =	vsel vm4, v39, v21;
	v29 =	vsel vm6, v42, v29;
	v34 =	vld [tilespmem:s19+$0x50]  }
0x2d: {  	v17 =	vsel vm2, v31, v17;
	v26 =	vsel vm3, v11, v26;
	v16 =	vsel vm3, v32, v16;
	v37 =	vld [tilespmem:s19+$0x60]  }
.Ltmp0:
0x2e: {  	v17 =	vsel vm5, v28, v17;
	v26 =	vsel vm6, v36, v26;
	v16 =	vsel vm6, v10, v16;
	v10 =	vld [tilespmem:s19+$0x70];
	(pc) =	sbr.rel @p1 .LBB2_2-.Ltmp0, $4  }
0x2f: {  	v23 =	vsel vm2, v12, v23;
	v24 =	vsel vm1, v13, v24;
	v25 =	vsel vm1, v14, v25;
	v33 =	vld [tilespmem:s19+$0x0]  }
0x30: {  	v23 =	vsel vm5, v35, v23;
	v24 =	vsel vm4, v22, v24;
	v25 =	vsel vm4, v18, v25;
	v14 =	vld [tilespmem:s19+$0x10]  }
0x31: {  	v15 =	vadd.s32 $0x80, v15;
	v12 =	vadd.s32 $0x80, v12;
	v13 =	vadd.s32 $0x80, v13;
	v31 =	vld [tilespmem:s19+$0x20];
	v18 =	vmovc v34  }
0x32: {  	s18 =	sadd.s32 $0x200, s18;
	v11 =	vadd.s32 $0x80, v11;
	v22 =	vadd.s32 $0x40, v13;
	v34 =	vadd.s32 $0x40, v15;
	v32 =	vld [tilespmem:s19+$0x30];
	v28 =	vmovc v37  }
0x33: {  	v35 =	vadd.s32 $0x40, v12;
	v36 =	vadd.s32 $0x40, v11  }
0x34: {  	v37 =	vand.u32 $0x7FFFFFFF, v9;
	v39 =	vand.u32 $0x7FFFFFFF, v18;
	v40 =	vand.u32 $0x7FFFFFFF, v28  }
0x35: {  	v42 =	vand.u32 $0x7FFFFFFF, v10;
	v43 =	vimm.f32 $-1.000000000e+00;
	v38 =	vand.u32 $0x7FFFFFFF, v33  }
0x36: {  	v46 =	vadd.s32 $0x40, v1;
	v44 =	vimm.f32 $-1.000000000e+00;
	vm1 =	vgt.f32 v38, v19  }
0x37: {  	v41 =	vand.u32 $0x7FFFFFFF, v14;
	v19 =	vsel vm1, v38, v19;
	v15 =	vsel vm1, v15, v20  }
0x38: {  	v30 =	vsel vm1, v33, v30;
	v62 =	vand.u32 $0x7FFFFFFF, v31;
	vm15 =	vgt.f32 v41, v21  }
0x39: {  	v33 =	vadd.s32 $0x40, v2;
	v38 =	vimm.s32 $0x0;
	vm14 =	vgt.f32 v37, v19  }
0x3a: {  	v63 =	vand.u32 $0x7FFFFFFF, v32;
	vm2 =	vgt.f32 v62, v27;
	v13 =	vsel vm15, v13, v24  }
0x3b: {  	_ =	swait.ge [sflag:s15], $0x4000;
	v24 =	vsel vm15, v14, v25;
	v25 =	vimm.f32 $0.0e+00;
	v19 =	vsel vm14, v37, v19  }
0x3c: {  	[sflag:s15] =	ssyncset.done $0x0;
	v20 =	vsel vm14, v34, v15;
	v9 =	vsel vm14, v9, v30;
	vm3 =	vgt.f32 v63, v29  }
0x3d: {  	s18 =	simm.s32 $0x0;
	[sflag:s15] =	ssyncadd.s32 $0xFFFFC000;
	v15 =	vsel vm15, v41, v21;
	v21 =	vsel vm2, v62, v27;
	v17 =	vsel vm2, v31, v17  }
0x3e: {  	v14 =	vld [tilespmem:s18+$0x4050];
	v23 =	vsel vm2, v12, v23;
	v41 =	vimm.f32 $-1.000000000e+00;
	vm4 =	vgt.f32 v39, v15  }
0x3f: {  	v29 =	vsel vm3, v63, v29;
	vm5 =	vgt.f32 v40, v21;
	v12 =	vsel vm4, v18, v24;
	v24 =	vld [tilespmem:s18+$0x4060]  }
0x40: {  	v26 =	vsel vm3, v11, v26;
	vm6 =	vgt.f32 v42, v29;
	v31 =	vsel vm4, v22, v13;
	v13 =	vld [tilespmem:s18+$0x4070]  }
0x41: {  	v27 =	vsel vm4, v39, v15;
	v15 =	vsel vm6, v42, v29;
	v29 =	vsel vm3, v32, v16;
	v16 =	vld [tilespmem:s18+$0x4040]  }
0x42: {  	v21 =	vsel vm5, v40, v21;
	v11 =	vsel vm5, v28, v17;
	v28 =	vsel vm5, v35, v23;
	v32 =	vld [tilespmem:s18+$0x4000]  }
0x43: {  	v40 =	vimm.s32 $0x0;
	v22 =	vimm.f32 $0.0e+00;
	v18 =	vld [tilespmem:s18+$0x4010];
	v23 =	vimm.f32 $0.0e+00  }
0x44: {  	v45 =	vmovc v1;
	v30 =	vld [tilespmem:s18+$0x4030];
	v34 =	vmovc v3;
	v39 =	vimm.s32 $0x0;
	v17 =	vsel vm6, v36, v26;
	v42 =	vimm.f32 $-1.000000000e+00  }
0x45: {  	v37 =	vmovc v4;
	v35 =	vmovc v2;
	v36 =	vimm.s32 $0x0;
	v26 =	vimm.f32 $0.0e+00;
	v10 =	vsel vm6, v10, v29;
	v29 =	vld [tilespmem:s18+$0x4020];
	s18 =	simm.s32 $0x200  }
.LBB2_4:
0x46: {  	p1 =	sne.s32 s18, $0xFE00;
	v47 =	vadd.s32 $0x40, v34;
	v48 =	vadd.s32 $0x40, v37;
	v49 =	vand.u32 $0x7FFFFFFF, v16  }
0x47: {  	v51 =	vand.u32 $0x7FFFFFFF, v14;
	v52 =	vand.u32 $0x7FFFFFFF, v24;
	v50 =	vand.u32 $0x7FFFFFFF, v32  }
0x48: {  	v54 =	vand.u32 $0x7FFFFFFF, v13;
	vm1 =	vgt.f32 v50, v43;
	v53 =	vand.u32 $0x7FFFFFFF, v18  }
0x49: {  	v43 =	vsel vm1, v50, v43;
	v40 =	vsel vm1, v45, v40;
	v22 =	vsel vm1, v32, v22  }
0x4a: {  	v32 =	vand.u32 $0x7FFFFFFF, v29;
	v50 =	vand.u32 $0x7FFFFFFF, v30;
	vm1 =	vgt.f32 v49, v43  }
0x4b: {  	v43 =	vsel vm1, v49, v43;
	v40 =	vsel vm1, v46, v40;
	v22 =	vsel vm1, v16, v22  }
0x4c: {  	vm2 =	vgt.f32 v32, v41;
	vm1 =	vgt.f32 v53, v44;
	vm3 =	vgt.f32 v50, v42  }
0x4d: {  	s19 =	sshra.s32 s18, $0x2;
	v32 =	vsel vm2, v32, v41;
	v44 =	vsel vm1, v53, v44;
	v42 =	vsel vm3, v50, v42  }
0x4e: {  	vm5 =	vgt.f32 v52, v32;
	vm4 =	vgt.f32 v51, v44;
	vm6 =	vgt.f32 v54, v42;
	v16 =	vld [tilespmem:s19+$0x4040]  }
0x4f: {  	v41 =	vsel vm5, v52, v32;
	v44 =	vsel vm4, v51, v44;
	v42 =	vsel vm6, v54, v42;
	v46 =	vld [tilespmem:s19+$0x4050]  }
0x50: {  	v23 =	vsel vm2, v29, v23;
	v29 =	vsel vm3, v37, v36;
	v25 =	vsel vm3, v30, v25;
	v49 =	vld [tilespmem:s19+$0x4060]  }
.Ltmp1:
0x51: {  	v23 =	vsel vm5, v24, v23;
	v36 =	vsel vm6, v48, v29;
	v25 =	vsel vm6, v13, v25;
	v13 =	vld [tilespmem:s19+$0x4070];
	(pc) =	sbr.rel @p1 .LBB2_4-.Ltmp1, $4  }
0x52: {  	v26 =	vsel vm1, v18, v26;
	v24 =	vsel vm1, v35, v39;
	v29 =	vsel vm2, v34, v38;
	v32 =	vld [tilespmem:s19+$0x4000]  }
0x53: {  	v39 =	vsel vm4, v33, v24;
	v26 =	vsel vm4, v14, v26;
	v38 =	vsel vm5, v47, v29;
	v18 =	vld [tilespmem:s19+$0x4010]  }
0x54: {  	v45 =	vadd.s32 $0x80, v45;
	v35 =	vadd.s32 $0x80, v35;
	v34 =	vadd.s32 $0x80, v34;
	v29 =	vld [tilespmem:s19+$0x4020];
	v14 =	vmovc v46  }
0x55: {  	s18 =	sadd.s32 $0x200, s18;
	v37 =	vadd.s32 $0x80, v37;
	v33 =	vadd.s32 $0x40, v35;
	v46 =	vadd.s32 $0x40, v45;
	v30 =	vld [tilespmem:s19+$0x4030];
	v24 =	vmovc v49  }
0x56: {  	v47 =	vadd.s32 $0x40, v34;
	v49 =	vand.u32 $0x7FFFFFFF, v16  }
0x57: {  	v50 =	vand.u32 $0x7FFFFFFF, v14;
	v51 =	vand.u32 $0x7FFFFFFF, v24;
	v60 =	vand.u32 $0x7FFFFFFF, v13  }
0x58: {  	v62 =	vadd.s32 $0x40, v37;
	vm9 =	veq.f32 v27, v19;
	vm10 =	vlt.s32 v31, v20  }
0x59: {  	vm11 =	vgt.f32 v27, v19;
	v48 =	vand.u32 $0x7FFFFFFF, v32;
	vm9 =	vmand vm9, vm10  }
0x5a: {  	vm1 =	vgt.f32 v48, v43;
	v52 =	vand.u32 $0x7FFFFFFF, v18;
	vm9 =	vmor vm11, vm9  }
0x5b: {  	v43 =	vsel vm1, v48, v43;
	v40 =	vsel vm1, v45, v40;
	v61 =	vand.u32 $0x7FFFFFFF, v29  }
0x5c: {  	vm4 =	vgt.f32 v52, v44;
	vm3 =	vgt.f32 v49, v43;
	v53 =	vand.u32 $0x7FFFFFFF, v30  }
0x5d: {  	vm7 =	vgt.f32 v61, v41;
	v44 =	vsel vm4, v52, v44;
	v35 =	vsel vm4, v35, v39  }
0x5e: {  	v43 =	vsel vm3, v49, v43;
	v40 =	vsel vm3, v46, v40;
	vm8 =	vgt.f32 v53, v42  }
0x5f: {  	v41 =	vsel vm7, v61, v41;
	vm5 =	vgt.f32 v50, v44;
	v63 =	vsel vm7, v34, v38  }
0x60: {  	v38 =	vsel vm9, v31, v20;
	v42 =	vsel vm8, v53, v42;
	vm6 =	vgt.f32 v51, v41  }
0x61: {  	v44 =	vsel vm5, v50, v44;
	v36 =	vsel vm8, v37, v36;
	v33 =	vsel vm5, v33, v35  }
0x62: {  	v37 =	vsel vm9, v27, v19;
	vm13 =	vlt.s32 v28, v38;
	vm2 =	vgt.f32 v60, v42  }
0x63: {  	v41 =	vsel vm6, v51, v41;
	v34 =	vsel vm6, v47, v63;
	vm10 =	veq.f32 v21, v37  }
0x64: {  	vm0 =	veq.f32 v44, v43;
	vm12 =	vlt.s32 v33, v40;
	vm14 =	vgt.f32 v44, v43  }
0x65: {  	v42 =	vsel vm2, v60, v42;
	v36 =	vsel vm2, v62, v36;
	vm11 =	vmand vm0, vm12  }
0x66: {  	vm0 =	vgt.f32 v21, v37;
	vm13 =	vmand vm10, vm13;
	vm10 =	vmor vm14, vm11  }
0x67: {  	vm11 =	vmor vm0, vm13;
	v39 =	vsel vm10, v44, v43;
	v43 =	vsel vm10, v33, v40  }
0x68: {  	v19 =	vsel vm11, v21, v37;
	vm12 =	veq.f32 v41, v39;
	vm13 =	vlt.s32 v34, v43  }
0x69: {  	v20 =	vsel vm11, v28, v38;
	vm0 =	vgt.f32 v41, v39;
	vm12 =	vmand vm12, vm13  }
0x6a: {  	vm15 =	veq.f32 v15, v19;
	vm13 =	vgt.f32 v15, v19;
	vm12 =	vmor vm0, vm12  }
0x6b: {  	vm0 =	vlt.s32 v17, v20;
	v44 =	vsel vm12, v41, v39;
	v45 =	vsel vm12, v34, v43  }
0x6c: {  	vm14 =	vmand vm15, vm0;
	vm15 =	veq.f32 v42, v44;
	vm0 =	vlt.s32 v36, v45  }
0x6d: {  	vm14 =	vmor vm13, vm14;
	vm13 =	vgt.f32 v42, v44;
	vm0 =	vmand vm15, vm0  }
0x6e: {  	v46 =	vsel vm14, v15, v19;
	vm13 =	vmor vm13, vm0  }
0x6f: {  	v47 =	vsel vm14, v17, v20;
	v48 =	vsel vm13, v42, v44;
	v49 =	vsel vm13, v36, v45  }
0x70: {  	vm0 =	veq.f32 v48, v46;
	vm15 =	vlt.s32 v49, v47  }
0x71: {  	vm0 =	vmand vm0, vm15;
	vm15 =	vgt.f32 v48, v46  }
0x72: {  	vm0 =	vmor vm15, vm0  }
0x73: {  	v15 =	vsel vm0, v48, v46;
	v17 =	vsel vm0, v49, v47  }
0x74: {  	v51 =	vperm.xlane v15, v5;
	v52 =	vperm.xlane v17, v5  }
0x75: {  	v9 =	vsel vm9, v12, v9;
	v56 =	vsel vm4, v18, v26;
	v54 =	vsel vm7, v29, v23  }
0x76: {  	v50 =	vsel vm1, v32, v22;
	vm15 =	veq.f32 v51, v15;
	vm7 =	vlt.s32 v52, v17  }
0x77: {  	v55 =	vsel vm8, v30, v25;
	vm8 =	vgt.f32 v51, v15;
	vm1 =	vmand vm15, vm7  }
0x78: {  	v57 =	vsel vm5, v14, v56;
	v53 =	vsel vm3, v16, v50;
	vm1 =	vmor vm8, vm1  }
0x79: {  	v60 =	vsel vm2, v13, v55;
	v58 =	vsel vm1, v51, v15;
	v59 =	vsel vm1, v52, v17  }
0x7a: {  	v9 =	vsel vm11, v11, v9;
	v11 =	vperm.xlane v58, v6;
	v17 =	vperm.xlane v59, v6  }
0x7b: {  	v19 =	vsel vm6, v24, v54;
	v9 =	vsel vm14, v10, v9;
	v10 =	vsel vm10, v57, v53  }
0x7c: {  	v10 =	vsel vm12, v19, v10;
	vm12 =	veq.f32 v11, v58;
	vm14 =	vlt.s32 v17, v59  }
0x7d: {  	v10 =	vsel vm13, v60, v10;
	vm15 =	vgt.f32 v11, v58;
	vm2 =	vmand vm12, vm14  }
0x7e: {  	v9 =	vsel vm0, v10, v9;
	vm7 =	vmor vm15, vm2  }
0x7f: {  	v10 =	vperm.xlane v9, v5;
	v11 =	vsel vm7, v11, v58;
	v61 =	vsel vm7, v17, v59  }
0x80: {  	v62 =	vperm.xlane v11, v7;
	v63 =	vperm.xlane v61, v7  }
0x81: {  	v9 =	vsel vm1, v10, v9  }
0x82: {  	v10 =	vperm.xlane v9, v6;
	vm8 =	veq.f32 v62, v11;
	vm9 =	vlt.s32 v63, v61  }
0x83: {  	vm10 =	vgt.f32 v62, v11;
	vm1 =	vmand vm8, vm9  }
0x84: {  	v9 =	vsel vm7, v10, v9;
	vm11 =	vmor vm10, vm1  }
0x85: {  	v10 =	vperm.xlane v9, v7;
	v11 =	vsel vm11, v62, v11;
	v12 =	vsel vm11, v63, v61  }
0x86: {  	v13 =	vperm.xlane v11, v8;
	v14 =	vperm.xlane v12, v8;
	_ =	sdelay $0x1  }
0x87: {  	v9 =	vsel vm11, v10, v9;
	vm12 =	veq.f32 v13, v11;
	vm13 =	vlt.s32 v14, v12  }
0x88: {  	v10 =	vperm.xlane v9, v8;
	vm14 =	vgt.f32 v13, v11;
	vm0 =	vmand vm12, vm13  }
0x89: {  	vm0 =	vmor vm14, vm0  }
0x8a: {  	v9 =	vsel vm0, v10, v9  }
0x8b: {  	v9 =	vsub.f32 $0.0e+00, v9;
	_ =	sdelay $0x1  }
0x8c: {  	v9 =	vmul.f32 $1.442695020e+00, v9;
	_ =	sdelay $0x1  }
0x8d: {  	(erf) = vpow2.f32 v9;
	_ =	sdelay $0x8  }
0x8e: {  	v9 =	vpop (erf)  }
0x8f: {  	v9 =	vadd.f32 $1.000000000e+00, v9;
	_ =	sdelay $0x1  }
0x90: {  	(erf) = vrcp.f32 v9;
	_ =	sdelay $0x4  }
0x91: {  	v9 =	vld [tilespmem:$0x8000];
	_ =	sdelay $0x3  }
0x92: {  	v10 =	vpop (erf)  }
0x93: {  	v9 =	vmul.f32 v10, v9;
	v10 =	vld [tilespmem:$0x1FFF0];
	_ =	sdelay $0x4  }
0x94: {  	vm15 =	vnez.u8 v10  }
0x95: {  	v9 =	vnsel vm15, $0x0, v9  }
0x96: {  	[tilespmem:$0x8080] =	vst v9  }
0x97: {  	[spmem:s6] =	stream.linear.scatter [tilespmem:s16], [sflag:$0x3], $0x10, $0x38;
	[tilespmem:$0x8290] =	vst v63  }
0x98: {  	_ =	swait.ge [sflag:s13], $0x10  }
0x99: {  	[sflag:s13] =	ssyncset.done $0x0  }
0x9a: {  	[sflag:s13] =	ssyncadd.s32 $0xFFFFFFF0  }
0x9b: {  	s18 =	simm.s32 @!p0 $0x8100;
	[bflag:$0x0] =	sbarrier.arrive $0xFFFF  }
0x9c: {  	[tilespmem:s18], [sflag:$0x3] =	stream.linear.gather @!p0 [spmem:s1], $0x100, $0x38;
	[tilespmem:$0x8290] =	vst v63  }
0x9d: {  	s18 =	simm.s32 @!p0 $0x3  }
0x9e: {  	_ =	swait.ge @!p0 [sflag:s18], $0x100  }
0x9f: {  	[sflag:s18] =	ssyncset.done @!p0 $0x0  }
0xa0: {  	[sflag:s18] =	ssyncadd.s32 @!p0 $0xFFFFFF00  }
0xa1: {  	v9 =	vld @!p0 [tilespmem:$0x8100]  }
0xa2: {  	v10 =	vld @!p0 [tilespmem:$0x8110];
	_ =	sdelay $0x1  }
0xa3: {  	v11 =	vld @!p0 [tilespmem:$0x8120];
	_ =	sdelay $0x1  }
0xa4: {  	v12 =	vld @!p0 [tilespmem:$0x8130]  }
0xa5: {  	v9 =	vadd.f32 @!p0 v10, v9  }
0xa6: {  	v10 =	vld @!p0 [tilespmem:$0x8140]  }
0xa7: {  	v9 =	vadd.f32 @!p0 v11, v9  }
0xa8: {  	v11 =	vld @!p0 [tilespmem:$0x8150]  }
0xa9: {  	v9 =	vadd.f32 @!p0 v12, v9  }
0xaa: {  	v12 =	vld @!p0 [tilespmem:$0x8160]  }
0xab: {  	v9 =	vadd.f32 @!p0 v10, v9  }
0xac: {  	v10 =	vld @!p0 [tilespmem:$0x8170]  }
0xad: {  	v9 =	vadd.f32 @!p0 v11, v9  }
0xae: {  	v11 =	vld @!p0 [tilespmem:$0x8180]  }
0xaf: {  	v9 =	vadd.f32 @!p0 v12, v9  }
0xb0: {  	v12 =	vld @!p0 [tilespmem:$0x8190]  }
0xb1: {  	v9 =	vadd.f32 @!p0 v10, v9  }
0xb2: {  	v10 =	vld @!p0 [tilespmem:$0x81A0]  }
0xb3: {  	v9 =	vadd.f32 @!p0 v11, v9  }
0xb4: {  	v11 =	vld @!p0 [tilespmem:$0x81B0]  }
0xb5: {  	v9 =	vadd.f32 @!p0 v12, v9  }
0xb6: {  	v12 =	vld @!p0 [tilespmem:$0x81C0]  }
0xb7: {  	v9 =	vadd.f32 @!p0 v10, v9  }
0xb8: {  	v10 =	vld @!p0 [tilespmem:$0x81D0]  }
0xb9: {  	v9 =	vadd.f32 @!p0 v11, v9  }
0xba: {  	v11 =	vld @!p0 [tilespmem:$0x81E0]  }
0xbb: {  	v9 =	vadd.f32 @!p0 v12, v9  }
0xbc: {  	v12 =	vld @!p0 [tilespmem:$0x81F0]  }
0xbd: {  	v9 =	vadd.f32 @!p0 v10, v9;
	_ =	sdelay $0x1  }
0xbe: {  	v9 =	vadd.f32 @!p0 v11, v9;
	_ =	sdelay $0x1  }
0xbf: {  	s17 =	sadd.s32 $0x1, s17;
	v9 =	vadd.f32 @!p0 v12, v9  }
0xc0: {  	p1 =	sne.s32 s17, s8  }
.Ltmp2:
0xc1: {  	s19 =	simm.s32 @!p0 $0x0;
	s20 =	simm.s32 @!p0 $0x8200;
	[tilespmem:$0x8200] =	vst @!p0 v9;
	(pc) =	sbr.rel @p1 .LBB2_1-.Ltmp2, $4  }
0xc2: {  	[hbm4b:s7+s19] =	stream.linear.scatter @!p0 [tilespmem:s20], [sflag:$0x3], $0x10, $0x38;
	[tilespmem:$0x8290] =	vst v63  }
0xc3: {  	_ =	swait.ge @!p0 [sflag:s18], $0x10  }
0xc4: {  	[sflag:s18] =	ssyncset.done @!p0 $0x0  }
0xc5: {  	[sflag:s18] =	ssyncadd.s32 @!p0 $0xFFFFFFF0  }
0xc6: {  	_ =	sfence.sel $0x180000  }
0xc7: {  	[bflag:$0x0] =	sbarrier.arrive $0xFFFF  }
0xc8: {  	_ =	strace $0x90000047  }
0xc9: {  	s0 =	sadd.s32 @!p0 $0x100000, s0;
	[bflag:$0x2] =	sbarrier.arrive $0xFFFF  }
0xca: {  	[sflag:s0] =	ssyncadd.tile.s32 @!p0 $0x1;
	_ =	shalt  }
.Lfunc_end2:
_tile_overlayer_lowered:
.L_overlay_start_2:
0xcb: {  	(tag) =	ssettag $0x2  }
0xcc: {  	s0 =	rddreg [dreg:$0x0];
	s2 =	stileid.u32  }
0xcd: {  	s1 =	rddreg [dreg:$0x1];
	p0 =	sne.s32 s2, $0x0  }
0xce: {  	s3 =	rddreg [dreg:$0x2];
	[bflag:$0x3] =	sbarrier.arrive $0xFFFF;
	s2 =	simm.s32 @!p0 $0x1C03  }
0xcf: {  	[timem:s3], [sflag:s2] =	dma.local @!p0 [hbm:s0], s1  }
0xd0: {  	s0 =	simm.s32 @!p0 $0x3  }
0xd1: {  	_ =	swait.ge @!p0 [sflag:s0], s1  }
0xd2: {  	s1 =	ssub.s32 @!p0 $0x0, s1;
	[sflag:s0] =	ssyncset.done @!p0 $0x0  }
0xd3: {  	[sflag:s0] =	ssyncadd.s32 @!p0 s1  }
0xd4: {  	[bflag:$0x3] =	sbarrier.arrive $0xFFFF  }
0xd5: {  	_ =	shalt  }

</sc_bundles>
